<compile_context>
chip_gen: v7x
topology: tpu7x:2x2x1
jax: 0.10.2.dev20260603
libtpu: 0.0.44.dev20260713+nightly
codegen_flags: <defaults>
</compile_context>

<pallas_src>
import jax
import jax.numpy as jnp
from jax import lax
from jax.experimental import pallas as pl
from jax.experimental.pallas import tpu as pltpu
from jax.experimental.pallas import tpu_sc as plsc

_N = 10000
_E = 320000
_D_IN = 128
_LANES = 16
_NTILES = 16
_N_PAD = 10240
_SLICE = _N_PAD // _NTILES
_E_STD = 19968
_E_LAST = _E - (_NTILES - 1) * _E_STD
_TAIL = _N - (_NTILES - 1) * _SLICE
_NCHUNK = 4
_ECHUNK = _E_STD // _NCHUNK
_E_REM = _E_LAST - _E_STD


def _rsqrt_nr(d):
  i = plsc.bitcast(d, jnp.int32)
  i = jnp.int32(0x5F3759DF) - lax.shift_right_arithmetic(i, jnp.int32(1))
  y = plsc.bitcast(i, jnp.float32)
  for _ in range(3):
    y = y * (1.5 - 0.5 * d * y * y)
  return y


def _mm_body(x_ref, w_ref, b_ref, h_ref, b16_ref):
  wt = w_ref[...].reshape(1, _D_IN)
  h_ref[...] = jnp.sum(x_ref[...] * wt, axis=1)
  b16_ref[...] = jnp.broadcast_to(b_ref[...], (_LANES,))


def _sc_body(edge_hbm, h_hbm, b_hbm, out_hbm,
             edgev, tabp, acc, hfull, diss, ps, tmp2d, outs, bvec,
             sem_e, sem_t, sem_h,
             shared_d, shared_p):
  w = lax.axis_index("s")
  base_n = w * _SLICE
  base_e = w * _E_STD
  is_last = w == _NTILES - 1
  ne = jnp.where(is_last, _E_LAST, _E_STD)

  cps = []
  for c in range(_NCHUNK):
    cp = pltpu.make_async_copy(
        edge_hbm.at[:, pl.ds(base_e + c * _ECHUNK, _ECHUNK)],
        edgev.at[:, pl.ds(c * _ECHUNK, _ECHUNK)], sem_e)
    cp.start()
    cps.append(cp)

  @pl.when(is_last)
  def _stage_tail():
    pltpu.make_async_copy(
        edge_hbm.at[:, pl.ds(base_e + _E_STD, _E_REM)],
        edgev.at[:, pl.ds(_E_STD, _E_REM)], sem_t).start()

  cp_h = pltpu.async_copy(h_hbm, hfull.at[pl.ds(0, _N)], sem_h)
  pltpu.sync_copy(b_hbm, bvec)

  zeros16 = jnp.zeros((_LANES,), jnp.float32)
  ones16 = jnp.ones((_LANES,), jnp.float32)

  @plsc.parallel_loop(0, _N_PAD, step=_LANES, unroll=4)
  def zero_body(i):
    tabp[pl.ds(i, _LANES)] = zeros16
    acc[pl.ds(i, _LANES)] = zeros16

  for c in range(_NCHUNK):
    cps[c].wait()

    @plsc.parallel_loop(c * _ECHUNK, (c + 1) * _ECHUNK, step=_LANES, unroll=4)
    def hist_body(i):
      d_idx = edgev[1, pl.ds(i, _LANES)]
      plsc.addupdate_scatter(tabp, [d_idx], ones16)

  @pl.when(is_last)
  def _hist_tail():
    pltpu.make_async_copy(
        edge_hbm.at[:, pl.ds(base_e + _E_STD, _E_REM)],
        edgev.at[:, pl.ds(_E_STD, _E_REM)], sem_t).wait()

    @plsc.parallel_loop(_E_STD, _E_LAST, step=_LANES, unroll=4)
    def hist_tail_body(i):
      d_idx = edgev[1, pl.ds(i, _LANES)]
      plsc.addupdate_scatter(tabp, [d_idx], ones16)

  pltpu.sync_copy(tabp, shared_d.at[w])
  plsc.subcore_barrier()

  pltpu.sync_copy(shared_d.at[:, pl.ds(base_n, _SLICE)], tmp2d)
  cp_h.wait()

  @plsc.parallel_loop(0, _SLICE, step=_LANES, unroll=2)
  def degp_body(i):
    s = tmp2d[0, pl.ds(i, _LANES)]
    for t in range(1, _NTILES):
      s = s + tmp2d[t, pl.ds(i, _LANES)]
    y = _rsqrt_nr(s + 1.0)
    diss[pl.ds(i, _LANES)] = y
    ps[pl.ds(i, _LANES)] = hfull[pl.ds(base_n + i, _LANES)] * y

  pltpu.sync_copy(ps, shared_p.at[pl.ds(base_n, _SLICE)])
  plsc.subcore_barrier()
  pltpu.sync_copy(shared_p, tabp)

  @plsc.parallel_loop(0, ne, step=_LANES, unroll=4)
  def edge_body(i):
    sv = edgev[0, pl.ds(i, _LANES)]
    vals = plsc.load_gather(tabp, [sv])
    dv = edgev[1, pl.ds(i, _LANES)]
    plsc.addupdate_scatter(acc, [dv], vals)

  pltpu.sync_copy(acc, shared_d.at[w])
  plsc.subcore_barrier()

  pltpu.sync_copy(shared_d.at[:, pl.ds(base_n, _SLICE)], tmp2d)
  bv = bvec[pl.ds(0, _LANES)]

  @plsc.parallel_loop(0, _SLICE, step=_LANES, unroll=2)
  def out_body(i):
    s = tmp2d[0, pl.ds(i, _LANES)]
    for t in range(1, _NTILES):
      s = s + tmp2d[t, pl.ds(i, _LANES)]
    o = diss[pl.ds(i, _LANES)] * (s + ps[pl.ds(i, _LANES)]) + bv
    outs[pl.ds(i, _LANES)] = o

  @pl.when(jnp.logical_not(is_last))
  def _full_write():
    pltpu.sync_copy(outs, out_hbm.at[pl.ds(base_n, _SLICE)])

  @pl.when(is_last)
  def _tail_write():
    pltpu.sync_copy(outs.at[pl.ds(0, _TAIL)], out_hbm.at[pl.ds(base_n, _TAIL)])


def kernel(x, edge_index, W, b):
  n = x.shape[0]

  h, b16 = pl.pallas_call(
      _mm_body,
      grid=(10,),
      in_specs=[
          pl.BlockSpec((1024, _D_IN), lambda i: (i, 0)),
          pl.BlockSpec((_D_IN, 1), lambda i: (0, 0)),
          pl.BlockSpec((1,), lambda i: (0,)),
      ],
      out_specs=[
          pl.BlockSpec((1024,), lambda i: (i,)),
          pl.BlockSpec((_LANES,), lambda i: (0,)),
      ],
      out_shape=[
          jax.ShapeDtypeStruct((n,), jnp.float32),
          jax.ShapeDtypeStruct((_LANES,), jnp.float32),
      ],
  )(x, W, b)

  mesh = plsc.VectorSubcoreMesh(core_axis_name="c", subcore_axis_name="s",
                                num_cores=1)
  sc_fn = pl.kernel(
      _sc_body,
      out_type=jax.ShapeDtypeStruct((_N,), jnp.float32),
      mesh=mesh,
      compiler_params=pltpu.CompilerParams(needs_layout_passes=False),
      scratch_types=[
          pltpu.VMEM((2, _E_LAST), jnp.int32),
          pltpu.VMEM((_N_PAD,), jnp.float32),
          pltpu.VMEM((_N_PAD,), jnp.float32),
          pltpu.VMEM((_N_PAD,), jnp.float32),
          pltpu.VMEM((_SLICE,), jnp.float32),
          pltpu.VMEM((_SLICE,), jnp.float32),
          pltpu.VMEM((_NTILES, _SLICE), jnp.float32),
          pltpu.VMEM((_SLICE,), jnp.float32),
          pltpu.VMEM((_LANES,), jnp.float32),
          pltpu.SemaphoreType.DMA,
          pltpu.SemaphoreType.DMA,
          pltpu.SemaphoreType.DMA,
          pltpu.VMEM_SHARED((_NTILES, _N_PAD), jnp.float32),
          pltpu.VMEM_SHARED((_N_PAD,), jnp.float32),
      ],
  )
  out = sc_fn(edge_index, h, b16)
  return out.reshape(n, 1)

# --- scband reference (transcript-rebuilt; emitter-appended) ---
"""Pipeline reference for scband-gcn-5634997093116 (READ-ONLY COPY).

The authoritative reference and input builder live on the scoring server;
editing this copy changes nothing except your own understanding.
"""

import jax, jax.numpy as jnp
import numpy as np

N = 10000
E = 320000
D_IN = 128
D_OUT = 1

def setup_inputs(seed: int = 0) -> dict:
    key = jax.random.key(seed)
    k1, k2, k3 = jax.random.split(key, 3)
    x = jax.random.normal(k1, (N, D_IN), dtype=jnp.float32)
    edge_index = jax.random.randint(k2, (2, E), 0, N, dtype=jnp.int32)
    # GCNConv params: linear weight (glorot) + bias (zeros)
    limit = np.sqrt(6.0 / (D_IN + D_OUT))
    W = jax.random.uniform(k3, (D_IN, D_OUT), dtype=jnp.float32, minval=-limit, maxval=limit)
    b = jnp.zeros((D_OUT,), dtype=jnp.float32)
    return {"x": x, "edge_index": edge_index, "W": W, "b": b}

def reference(x, edge_index, W, b):
    # PyG GCNConv: add self-loops, symmetric normalization D^-1/2 (A+I) D^-1/2 X W + b
    n = x.shape[0]
    loops = jnp.arange(n, dtype=edge_index.dtype)
    src = jnp.concatenate([edge_index[0], loops])
    dst = jnp.concatenate([edge_index[1], loops])
    # degree computed on destination nodes (col) including self-loops
    deg = jnp.zeros((n,), jnp.float32).at[dst].add(jnp.ones(src.shape[0], jnp.float32))
    deg_inv_sqrt = jnp.where(deg > 0, 1.0 / jnp.sqrt(deg), 0.0)
    norm = deg_inv_sqrt[src] * deg_inv_sqrt[dst]
    h = x @ W  # linear transform first (no bias in lin)
    msg = h[src] * norm[:, None]  # gather + scale
    out = jnp.zeros((n, h.shape[1]), jnp.float32).at[dst].add(msg)  # scatter-add aggregation
    return out + b

if __name__ == "__main__":
    import jax
    _d = setup_inputs()
    print(jax.jit(kernel)(*tuple(_d.values())))

</pallas_src>

<mosaic_0001>
#map = affine_map<(d0, d1) -> (0, 0)>
#map1 = affine_map<(d0, d1) -> (0)>
module attributes {stable_mosaic.version = 14 : i64} {
  func.func @_sc_body(%arg0: i32, %arg1: i32, %arg2: memref<2x320000xi32, #tpu.memory_space<hbm>>, %arg3: memref<10000xf32, #tpu.memory_space<hbm>>, %arg4: memref<16xf32, #tpu.memory_space<hbm>>, %arg5: memref<10000xf32, #tpu.memory_space<hbm>>, %arg6: memref<2x20480xi32, #tpu.memory_space<vmem>>, %arg7: memref<10240xf32, #tpu.memory_space<vmem>>, %arg8: memref<10240xf32, #tpu.memory_space<vmem>>, %arg9: memref<10240xf32, #tpu.memory_space<vmem>>, %arg10: memref<640xf32, #tpu.memory_space<vmem>>, %arg11: memref<640xf32, #tpu.memory_space<vmem>>, %arg12: memref<16x640xf32, #tpu.memory_space<vmem>>, %arg13: memref<640xf32, #tpu.memory_space<vmem>>, %arg14: memref<16xf32, #tpu.memory_space<vmem>>, %arg15: memref<!tpu.dma_semaphore, #tpu.memory_space<semaphore_mem>>, %arg16: memref<!tpu.dma_semaphore, #tpu.memory_space<semaphore_mem>>, %arg17: memref<!tpu.dma_semaphore, #tpu.memory_space<semaphore_mem>>, %arg18: memref<16x10240xf32, #tpu.memory_space<vmem_shared>>, %arg19: memref<10240xf32, #tpu.memory_space<vmem_shared>>) attributes {dimension_semantics = [#tpu.dimension_semantics<core_parallel>, #tpu.dimension_semantics<subcore_parallel>], iteration_bounds = array<i64: 1, 16>, scalar_prefetch = 0 : i64, scratch_operands = 14 : i64, tpu.core_type = #tpu.core_type<sc_vector_subcore>, window_params = [{transform_indices = #map}, {transform_indices = #map1}, {transform_indices = #map1}, {transform_indices = #map1}]} {
    %mul3A = arith.constant 640 : i32
    %mul3A_0 = arith.muli %arg1, %mul3A : i32
    %mul3A_1 = arith.constant 19968 : i32
    %mul3A_2 = arith.muli %arg1, %mul3A_1 : i32
    %eq3A = arith.constant 15 : i32
    %eq3A_3 = arith.cmpi eq, %arg1, %eq3A : i32
    %jit3A = arith.constant 20480 : i32
    %jit3A_4 = arith.constant 19968 : i32
    %select_n3A = arith.select %eq3A_3, %jit3A, %jit3A_4 : i32
    %add3A = arith.constant 0 : i32
    %add3A_5 = arith.addi %mul3A_2, %add3A : i32
    %dma_start3A = arith.constant 0 : i32
    %dma_start3A_6 = arith.constant 0 : i32
    %dma_start3A_7 = tpu.memref_slice %arg6[%dma_start3A, %dma_start3A_6] : memref<2x20480xi32, #tpu.memory_space<vmem>> -> memref<2x4992xi32, #tpu.memory_space<vmem>>
    %dma_start3A_8 = arith.constant 0 : i32
    %dma_start3A_9 = tpu.memref_slice %arg2[%dma_start3A_8, %add3A_5] : memref<2x320000xi32, #tpu.memory_space<hbm>> -> memref<2x4992xi32, #tpu.memory_space<hbm>>
    %dma_start3A_10 = arith.constant 0 : i32
    %dma_start3A_11 = arith.constant 0 : i32
    %dma_start3A_12 = tpu.memref_slice %arg6[%dma_start3A_10, %dma_start3A_11] : memref<2x20480xi32, #tpu.memory_space<vmem>> -> memref<2x4992xi32, #tpu.memory_space<vmem>>
    %dma_start3A_13 = arith.constant 0 : i32
    %dma_start3A_14 = tpu.memref_slice %arg2[%dma_start3A_13, %add3A_5] : memref<2x320000xi32, #tpu.memory_space<hbm>> -> memref<2x4992xi32, #tpu.memory_space<hbm>>
    tpu.enqueue_dma source(%dma_start3A_14 : memref<2x4992xi32, #tpu.memory_space<hbm>>) target(%dma_start3A_12 : memref<2x4992xi32, #tpu.memory_space<vmem>>) target_semaphore(%arg15 : memref<!tpu.dma_semaphore, #tpu.memory_space<semaphore_mem>>)
    %add3A_15 = arith.constant 4992 : i32
    %add3A_16 = arith.addi %mul3A_2, %add3A_15 : i32
    %dma_start3A_17 = arith.constant 0 : i32
    %dma_start3A_18 = arith.constant 4992 : i32
    %dma_start3A_19 = tpu.memref_slice %arg6[%dma_start3A_17, %dma_start3A_18] : memref<2x20480xi32, #tpu.memory_space<vmem>> -> memref<2x4992xi32, #tpu.memory_space<vmem>>
    %dma_start3A_20 = arith.constant 0 : i32
    %dma_start3A_21 = tpu.memref_slice %arg2[%dma_start3A_20, %add3A_16] : memref<2x320000xi32, #tpu.memory_space<hbm>> -> memref<2x4992xi32, #tpu.memory_space<hbm>>
    %dma_start3A_22 = arith.constant 0 : i32
    %dma_start3A_23 = arith.constant 4992 : i32
    %dma_start3A_24 = tpu.memref_slice %arg6[%dma_start3A_22, %dma_start3A_23] : memref<2x20480xi32, #tpu.memory_space<vmem>> -> memref<2x4992xi32, #tpu.memory_space<vmem>>
    %dma_start3A_25 = arith.constant 0 : i32
    %dma_start3A_26 = tpu.memref_slice %arg2[%dma_start3A_25, %add3A_16] : memref<2x320000xi32, #tpu.memory_space<hbm>> -> memref<2x4992xi32, #tpu.memory_space<hbm>>
    tpu.enqueue_dma source(%dma_start3A_26 : memref<2x4992xi32, #tpu.memory_space<hbm>>) target(%dma_start3A_24 : memref<2x4992xi32, #tpu.memory_space<vmem>>) target_semaphore(%arg15 : memref<!tpu.dma_semaphore, #tpu.memory_space<semaphore_mem>>)
    %add3A_27 = arith.constant 9984 : i32
    %add3A_28 = arith.addi %mul3A_2, %add3A_27 : i32
    %dma_start3A_29 = arith.constant 0 : i32
    %dma_start3A_30 = arith.constant 9984 : i32
    %dma_start3A_31 = tpu.memref_slice %arg6[%dma_start3A_29, %dma_start3A_30] : memref<2x20480xi32, #tpu.memory_space<vmem>> -> memref<2x4992xi32, #tpu.memory_space<vmem>>
    %dma_start3A_32 = arith.constant 0 : i32
    %dma_start3A_33 = tpu.memref_slice %arg2[%dma_start3A_32, %add3A_28] : memref<2x320000xi32, #tpu.memory_space<hbm>> -> memref<2x4992xi32, #tpu.memory_space<hbm>>
    %dma_start3A_34 = arith.constant 0 : i32
    %dma_start3A_35 = arith.constant 9984 : i32
    %dma_start3A_36 = tpu.memref_slice %arg6[%dma_start3A_34, %dma_start3A_35] : memref<2x20480xi32, #tpu.memory_space<vmem>> -> memref<2x4992xi32, #tpu.memory_space<vmem>>
    %dma_start3A_37 = arith.constant 0 : i32
    %dma_start3A_38 = tpu.memref_slice %arg2[%dma_start3A_37, %add3A_28] : memref<2x320000xi32, #tpu.memory_space<hbm>> -> memref<2x4992xi32, #tpu.memory_space<hbm>>
    tpu.enqueue_dma source(%dma_start3A_38 : memref<2x4992xi32, #tpu.memory_space<hbm>>) target(%dma_start3A_36 : memref<2x4992xi32, #tpu.memory_space<vmem>>) target_semaphore(%arg15 : memref<!tpu.dma_semaphore, #tpu.memory_space<semaphore_mem>>)
    %add3A_39 = arith.constant 14976 : i32
    %add3A_40 = arith.addi %mul3A_2, %add3A_39 : i32
    %dma_start3A_41 = arith.constant 0 : i32
    %dma_start3A_42 = arith.constant 14976 : i32
    %dma_start3A_43 = tpu.memref_slice %arg6[%dma_start3A_41, %dma_start3A_42] : memref<2x20480xi32, #tpu.memory_space<vmem>> -> memref<2x4992xi32, #tpu.memory_space<vmem>>
    %dma_start3A_44 = arith.constant 0 : i32
    %dma_start3A_45 = tpu.memref_slice %arg2[%dma_start3A_44, %add3A_40] : memref<2x320000xi32, #tpu.memory_space<hbm>> -> memref<2x4992xi32, #tpu.memory_space<hbm>>
    %dma_start3A_46 = arith.constant 0 : i32
    %dma_start3A_47 = arith.constant 14976 : i32
    %dma_start3A_48 = tpu.memref_slice %arg6[%dma_start3A_46, %dma_start3A_47] : memref<2x20480xi32, #tpu.memory_space<vmem>> -> memref<2x4992xi32, #tpu.memory_space<vmem>>
    %dma_start3A_49 = arith.constant 0 : i32
    %dma_start3A_50 = tpu.memref_slice %arg2[%dma_start3A_49, %add3A_40] : memref<2x320000xi32, #tpu.memory_space<hbm>> -> memref<2x4992xi32, #tpu.memory_space<hbm>>
    tpu.enqueue_dma source(%dma_start3A_50 : memref<2x4992xi32, #tpu.memory_space<hbm>>) target(%dma_start3A_48 : memref<2x4992xi32, #tpu.memory_space<vmem>>) target_semaphore(%arg15 : memref<!tpu.dma_semaphore, #tpu.memory_space<semaphore_mem>>)
    %convert_element_type3A = arith.extui %eq3A_3 : i1 to i32
    %cond3A = arith.constant 0 : i32
    %cond3A_51 = arith.cmpi ne, %convert_element_type3A, %cond3A : i32
    scf.if %cond3A_51 {
      %add3A_137 = arith.constant 19968 : i32
      %add3A_138 = arith.addi %mul3A_2, %add3A_137 : i32
      %dma_start3A_139 = arith.constant 0 : i32
      %dma_start3A_140 = arith.constant 19968 : i32
      %dma_start3A_141 = tpu.memref_slice %arg6[%dma_start3A_139, %dma_start3A_140] : memref<2x20480xi32, #tpu.memory_space<vmem>> -> memref<2x512xi32, #tpu.memory_space<vmem>>
      %dma_start3A_142 = arith.constant 0 : i32
      %dma_start3A_143 = tpu.memref_slice %arg2[%dma_start3A_142, %add3A_138] : memref<2x320000xi32, #tpu.memory_space<hbm>> -> memref<2x512xi32, #tpu.memory_space<hbm>>
      %dma_start3A_144 = arith.constant 0 : i32
      %dma_start3A_145 = arith.constant 19968 : i32
      %dma_start3A_146 = tpu.memref_slice %arg6[%dma_start3A_144, %dma_start3A_145] : memref<2x20480xi32, #tpu.memory_space<vmem>> -> memref<2x512xi32, #tpu.memory_space<vmem>>
      %dma_start3A_147 = arith.constant 0 : i32
      %dma_start3A_148 = tpu.memref_slice %arg2[%dma_start3A_147, %add3A_138] : memref<2x320000xi32, #tpu.memory_space<hbm>> -> memref<2x512xi32, #tpu.memory_space<hbm>>
      tpu.enqueue_dma source(%dma_start3A_148 : memref<2x512xi32, #tpu.memory_space<hbm>>) target(%dma_start3A_146 : memref<2x512xi32, #tpu.memory_space<vmem>>) target_semaphore(%arg16 : memref<!tpu.dma_semaphore, #tpu.memory_space<semaphore_mem>>)
    } else {
    }
    %dma_start3A_52 = arith.constant 0 : i32
    %dma_start3A_53 = tpu.memref_slice %arg9[%dma_start3A_52] : memref<10240xf32, #tpu.memory_space<vmem>> -> memref<10000xf32, #tpu.memory_space<vmem>>
    %dma_start3A_54 = arith.constant 0 : i32
    %dma_start3A_55 = tpu.memref_slice %arg9[%dma_start3A_54] : memref<10240xf32, #tpu.memory_space<vmem>> -> memref<10000xf32, #tpu.memory_space<vmem>>
    tpu.enqueue_dma source(%arg3 : memref<10000xf32, #tpu.memory_space<hbm>>) target(%dma_start3A_55 : memref<10000xf32, #tpu.memory_space<vmem>>) target_semaphore(%arg17 : memref<!tpu.dma_semaphore, #tpu.memory_space<semaphore_mem>>)
    "tpu.region"() ({
      %run_scoped3A = tpu.sem_alloc : memref<!tpu.dma_semaphore, #tpu.memory_space<semaphore_mem>>
      tpu.enqueue_dma source(%arg4 : memref<16xf32, #tpu.memory_space<hbm>>) target(%arg14 : memref<16xf32, #tpu.memory_space<vmem>>) target_semaphore(%run_scoped3A : memref<!tpu.dma_semaphore, #tpu.memory_space<semaphore_mem>>)
      tpu.wait_dma2 semaphore(%run_scoped3A : memref<!tpu.dma_semaphore, #tpu.memory_space<semaphore_mem>>) src(%arg4 : memref<16xf32, #tpu.memory_space<hbm>>) dst(%arg14 : memref<16xf32, #tpu.memory_space<vmem>>)
      tpu.yield
    }) : () -> ()
    %broadcast_in_dim3A = arith.constant 0.000000e+00 : f32
    %broadcast_in_dim3A_56 = vector.broadcast %broadcast_in_dim3A : f32 to vector<16xf32>
    %broadcast_in_dim3A_57 = arith.constant 1.000000e+00 : f32
    %broadcast_in_dim3A_58 = vector.broadcast %broadcast_in_dim3A_57 : f32 to vector<16xf32>
    %parallel_loop3A = arith.constant 0 : i32
    %parallel_loop3A_59 = arith.constant 10240 : i32
    %parallel_loop3A_60 = arith.constant 16 : i32
    scf.for %parallel_loop3A_137 = %parallel_loop3A to %parallel_loop3A_59 step %parallel_loop3A_60  : i32 {
      %parallel_loop3A_138 = arith.index_cast %parallel_loop3A_137 : i32 to index
      %parallel_loop3A_139 = tpu.vector_load %arg7[%parallel_loop3A_138] {strides = array<i32>} : memref<10240xf32, #tpu.memory_space<vmem>>, vector<16xf32>,
      tpu.vector_store %arg7[%parallel_loop3A_138], %broadcast_in_dim3A_56 {strides = array<i32>} : memref<10240xf32, #tpu.memory_space<vmem>>, vector<16xf32>,
      %parallel_loop3A_140 = arith.index_cast %parallel_loop3A_137 : i32 to index
      %parallel_loop3A_141 = tpu.vector_load %arg8[%parallel_loop3A_140] {strides = array<i32>} : memref<10240xf32, #tpu.memory_space<vmem>>, vector<16xf32>,
      tpu.vector_store %arg8[%parallel_loop3A_140], %broadcast_in_dim3A_56 {strides = array<i32>} : memref<10240xf32, #tpu.memory_space<vmem>>, vector<16xf32>,
    } {sc.loop_unroll_factor = 4 : i64, sc.parallel_access}
    %dma_wait3A = arith.constant 0 : i32
    %dma_wait3A_61 = arith.constant 0 : i32
    %dma_wait3A_62 = tpu.memref_slice %arg6[%dma_wait3A, %dma_wait3A_61] : memref<2x20480xi32, #tpu.memory_space<vmem>> -> memref<2x4992xi32, #tpu.memory_space<vmem>>
    %dma_wait3A_63 = arith.constant 0 : i32
    %dma_wait3A_64 = tpu.memref_slice %arg2[%dma_wait3A_63, %add3A_5] : memref<2x320000xi32, #tpu.memory_space<hbm>> -> memref<2x4992xi32, #tpu.memory_space<hbm>>
    %dma_wait3A_65 = arith.constant 0 : i32
    %dma_wait3A_66 = arith.constant 0 : i32
    %dma_wait3A_67 = tpu.memref_slice %arg6[%dma_wait3A_65, %dma_wait3A_66] : memref<2x20480xi32, #tpu.memory_space<vmem>> -> memref<2x4992xi32, #tpu.memory_space<vmem>>
    %dma_wait3A_68 = arith.constant 0 : i32
    %dma_wait3A_69 = tpu.memref_slice %arg2[%dma_wait3A_68, %add3A_5] : memref<2x320000xi32, #tpu.memory_space<hbm>> -> memref<2x4992xi32, #tpu.memory_space<hbm>>
    tpu.wait_dma2 semaphore(%arg15 : memref<!tpu.dma_semaphore, #tpu.memory_space<semaphore_mem>>) src(%dma_wait3A_69 : memref<2x4992xi32, #tpu.memory_space<hbm>>) dst(%dma_wait3A_67 : memref<2x4992xi32, #tpu.memory_space<vmem>>)
    %parallel_loop3A_70 = arith.constant 0 : i32
    %parallel_loop3A_71 = arith.constant 4992 : i32
    %parallel_loop3A_72 = arith.constant 16 : i32
    scf.for %parallel_loop3A_137 = %parallel_loop3A_70 to %parallel_loop3A_71 step %parallel_loop3A_72  : i32 {
      %parallel_loop3A_138 = arith.constant 1 : i32
      %parallel_loop3A_139 = arith.index_cast %parallel_loop3A_138 : i32 to index
      %parallel_loop3A_140 = arith.index_cast %parallel_loop3A_137 : i32 to index
      %parallel_loop3A_141 = tpu.vector_load %arg6[%parallel_loop3A_139, %parallel_loop3A_140] {strides = array<i32>} : memref<2x20480xi32, #tpu.memory_space<vmem>>, vector<16xi32>,
      tpu.vector_store_idx %arg7[%parallel_loop3A_141], %broadcast_in_dim3A_58 {add = true} : memref<10240xf32, #tpu.memory_space<vmem>>[vector<16xi32>], vector<16xf32>,
    } {sc.loop_unroll_factor = 4 : i64, sc.parallel_access}
    %dma_wait3A_73 = arith.constant 0 : i32
    %dma_wait3A_74 = arith.constant 4992 : i32
    %dma_wait3A_75 = tpu.memref_slice %arg6[%dma_wait3A_73, %dma_wait3A_74] : memref<2x20480xi32, #tpu.memory_space<vmem>> -> memref<2x4992xi32, #tpu.memory_space<vmem>>
    %dma_wait3A_76 = arith.constant 0 : i32
    %dma_wait3A_77 = tpu.memref_slice %arg2[%dma_wait3A_76, %add3A_16] : memref<2x320000xi32, #tpu.memory_space<hbm>> -> memref<2x4992xi32, #tpu.memory_space<hbm>>
    %dma_wait3A_78 = arith.constant 0 : i32
    %dma_wait3A_79 = arith.constant 4992 : i32
    %dma_wait3A_80 = tpu.memref_slice %arg6[%dma_wait3A_78, %dma_wait3A_79] : memref<2x20480xi32, #tpu.memory_space<vmem>> -> memref<2x4992xi32, #tpu.memory_space<vmem>>
    %dma_wait3A_81 = arith.constant 0 : i32
    %dma_wait3A_82 = tpu.memref_slice %arg2[%dma_wait3A_81, %add3A_16] : memref<2x320000xi32, #tpu.memory_space<hbm>> -> memref<2x4992xi32, #tpu.memory_space<hbm>>
    tpu.wait_dma2 semaphore(%arg15 : memref<!tpu.dma_semaphore, #tpu.memory_space<semaphore_mem>>) src(%dma_wait3A_82 : memref<2x4992xi32, #tpu.memory_space<hbm>>) dst(%dma_wait3A_80 : memref<2x4992xi32, #tpu.memory_space<vmem>>)
    %parallel_loop3A_83 = arith.constant 4992 : i32
    %parallel_loop3A_84 = arith.constant 9984 : i32
    %parallel_loop3A_85 = arith.constant 16 : i32
    scf.for %parallel_loop3A_137 = %parallel_loop3A_83 to %parallel_loop3A_84 step %parallel_loop3A_85  : i32 {
      %parallel_loop3A_138 = arith.constant 1 : i32
      %parallel_loop3A_139 = arith.index_cast %parallel_loop3A_138 : i32 to index
      %parallel_loop3A_140 = arith.index_cast %parallel_loop3A_137 : i32 to index
      %parallel_loop3A_141 = tpu.vector_load %arg6[%parallel_loop3A_139, %parallel_loop3A_140] {strides = array<i32>} : memref<2x20480xi32, #tpu.memory_space<vmem>>, vector<16xi32>,
      tpu.vector_store_idx %arg7[%parallel_loop3A_141], %broadcast_in_dim3A_58 {add = true} : memref<10240xf32, #tpu.memory_space<vmem>>[vector<16xi32>], vector<16xf32>,
    } {sc.loop_unroll_factor = 4 : i64, sc.parallel_access}
    %dma_wait3A_86 = arith.constant 0 : i32
    %dma_wait3A_87 = arith.constant 9984 : i32
    %dma_wait3A_88 = tpu.memref_slice %arg6[%dma_wait3A_86, %dma_wait3A_87] : memref<2x20480xi32, #tpu.memory_space<vmem>> -> memref<2x4992xi32, #tpu.memory_space<vmem>>
    %dma_wait3A_89 = arith.constant 0 : i32
    %dma_wait3A_90 = tpu.memref_slice %arg2[%dma_wait3A_89, %add3A_28] : memref<2x320000xi32, #tpu.memory_space<hbm>> -> memref<2x4992xi32, #tpu.memory_space<hbm>>
    %dma_wait3A_91 = arith.constant 0 : i32
    %dma_wait3A_92 = arith.constant 9984 : i32
    %dma_wait3A_93 = tpu.memref_slice %arg6[%dma_wait3A_91, %dma_wait3A_92] : memref<2x20480xi32, #tpu.memory_space<vmem>> -> memref<2x4992xi32, #tpu.memory_space<vmem>>
    %dma_wait3A_94 = arith.constant 0 : i32
    %dma_wait3A_95 = tpu.memref_slice %arg2[%dma_wait3A_94, %add3A_28] : memref<2x320000xi32, #tpu.memory_space<hbm>> -> memref<2x4992xi32, #tpu.memory_space<hbm>>
    tpu.wait_dma2 semaphore(%arg15 : memref<!tpu.dma_semaphore, #tpu.memory_space<semaphore_mem>>) src(%dma_wait3A_95 : memref<2x4992xi32, #tpu.memory_space<hbm>>) dst(%dma_wait3A_93 : memref<2x4992xi32, #tpu.memory_space<vmem>>)
    %parallel_loop3A_96 = arith.constant 9984 : i32
    %parallel_loop3A_97 = arith.constant 14976 : i32
    %parallel_loop3A_98 = arith.constant 16 : i32
    scf.for %parallel_loop3A_137 = %parallel_loop3A_96 to %parallel_loop3A_97 step %parallel_loop3A_98  : i32 {
      %parallel_loop3A_138 = arith.constant 1 : i32
      %parallel_loop3A_139 = arith.index_cast %parallel_loop3A_138 : i32 to index
      %parallel_loop3A_140 = arith.index_cast %parallel_loop3A_137 : i32 to index
      %parallel_loop3A_141 = tpu.vector_load %arg6[%parallel_loop3A_139, %parallel_loop3A_140] {strides = array<i32>} : memref<2x20480xi32, #tpu.memory_space<vmem>>, vector<16xi32>,
      tpu.vector_store_idx %arg7[%parallel_loop3A_141], %broadcast_in_dim3A_58 {add = true} : memref<10240xf32, #tpu.memory_space<vmem>>[vector<16xi32>], vector<16xf32>,
    } {sc.loop_unroll_factor = 4 : i64, sc.parallel_access}
    %dma_wait3A_99 = arith.constant 0 : i32
    %dma_wait3A_100 = arith.constant 14976 : i32
    %dma_wait3A_101 = tpu.memref_slice %arg6[%dma_wait3A_99, %dma_wait3A_100] : memref<2x20480xi32, #tpu.memory_space<vmem>> -> memref<2x4992xi32, #tpu.memory_space<vmem>>
    %dma_wait3A_102 = arith.constant 0 : i32
    %dma_wait3A_103 = tpu.memref_slice %arg2[%dma_wait3A_102, %add3A_40] : memref<2x320000xi32, #tpu.memory_space<hbm>> -> memref<2x4992xi32, #tpu.memory_space<hbm>>
    %dma_wait3A_104 = arith.constant 0 : i32
    %dma_wait3A_105 = arith.constant 14976 : i32
    %dma_wait3A_106 = tpu.memref_slice %arg6[%dma_wait3A_104, %dma_wait3A_105] : memref<2x20480xi32, #tpu.memory_space<vmem>> -> memref<2x4992xi32, #tpu.memory_space<vmem>>
    %dma_wait3A_107 = arith.constant 0 : i32
    %dma_wait3A_108 = tpu.memref_slice %arg2[%dma_wait3A_107, %add3A_40] : memref<2x320000xi32, #tpu.memory_space<hbm>> -> memref<2x4992xi32, #tpu.memory_space<hbm>>
    tpu.wait_dma2 semaphore(%arg15 : memref<!tpu.dma_semaphore, #tpu.memory_space<semaphore_mem>>) src(%dma_wait3A_108 : memref<2x4992xi32, #tpu.memory_space<hbm>>) dst(%dma_wait3A_106 : memref<2x4992xi32, #tpu.memory_space<vmem>>)
    %parallel_loop3A_109 = arith.constant 14976 : i32
    %parallel_loop3A_110 = arith.constant 19968 : i32
    %parallel_loop3A_111 = arith.constant 16 : i32
    scf.for %parallel_loop3A_137 = %parallel_loop3A_109 to %parallel_loop3A_110 step %parallel_loop3A_111  : i32 {
      %parallel_loop3A_138 = arith.constant 1 : i32
      %parallel_loop3A_139 = arith.index_cast %parallel_loop3A_138 : i32 to index
      %parallel_loop3A_140 = arith.index_cast %parallel_loop3A_137 : i32 to index
      %parallel_loop3A_141 = tpu.vector_load %arg6[%parallel_loop3A_139, %parallel_loop3A_140] {strides = array<i32>} : memref<2x20480xi32, #tpu.memory_space<vmem>>, vector<16xi32>,
      tpu.vector_store_idx %arg7[%parallel_loop3A_141], %broadcast_in_dim3A_58 {add = true} : memref<10240xf32, #tpu.memory_space<vmem>>[vector<16xi32>], vector<16xf32>,
    } {sc.loop_unroll_factor = 4 : i64, sc.parallel_access}
    %convert_element_type3A_112 = arith.extui %eq3A_3 : i1 to i32
    %cond3A_113 = arith.constant 0 : i32
    %cond3A_114 = arith.cmpi ne, %convert_element_type3A_112, %cond3A_113 : i32
    scf.if %cond3A_114 {
      %add3A_137 = arith.constant 19968 : i32
      %add3A_138 = arith.addi %mul3A_2, %add3A_137 : i32
      %dma_wait3A_139 = arith.constant 0 : i32
      %dma_wait3A_140 = arith.constant 19968 : i32
      %dma_wait3A_141 = tpu.memref_slice %arg6[%dma_wait3A_139, %dma_wait3A_140] : memref<2x20480xi32, #tpu.memory_space<vmem>> -> memref<2x512xi32, #tpu.memory_space<vmem>>
      %dma_wait3A_142 = arith.constant 0 : i32
      %dma_wait3A_143 = tpu.memref_slice %arg2[%dma_wait3A_142, %add3A_138] : memref<2x320000xi32, #tpu.memory_space<hbm>> -> memref<2x512xi32, #tpu.memory_space<hbm>>
      %dma_wait3A_144 = arith.constant 0 : i32
      %dma_wait3A_145 = arith.constant 19968 : i32
      %dma_wait3A_146 = tpu.memref_slice %arg6[%dma_wait3A_144, %dma_wait3A_145] : memref<2x20480xi32, #tpu.memory_space<vmem>> -> memref<2x512xi32, #tpu.memory_space<vmem>>
      %dma_wait3A_147 = arith.constant 0 : i32
      %dma_wait3A_148 = tpu.memref_slice %arg2[%dma_wait3A_147, %add3A_138] : memref<2x320000xi32, #tpu.memory_space<hbm>> -> memref<2x512xi32, #tpu.memory_space<hbm>>
      tpu.wait_dma2 semaphore(%arg16 : memref<!tpu.dma_semaphore, #tpu.memory_space<semaphore_mem>>) src(%dma_wait3A_148 : memref<2x512xi32, #tpu.memory_space<hbm>>) dst(%dma_wait3A_146 : memref<2x512xi32, #tpu.memory_space<vmem>>)
      %parallel_loop3A_149 = arith.constant 19968 : i32
      %parallel_loop3A_150 = arith.constant 20480 : i32
      %parallel_loop3A_151 = arith.constant 16 : i32
      scf.for %parallel_loop3A_152 = %parallel_loop3A_149 to %parallel_loop3A_150 step %parallel_loop3A_151  : i32 {
        %parallel_loop3A_153 = arith.constant 1 : i32
        %parallel_loop3A_154 = arith.index_cast %parallel_loop3A_153 : i32 to index
        %parallel_loop3A_155 = arith.index_cast %parallel_loop3A_152 : i32 to index
        %parallel_loop3A_156 = tpu.vector_load %arg6[%parallel_loop3A_154, %parallel_loop3A_155] {strides = array<i32>} : memref<2x20480xi32, #tpu.memory_space<vmem>>, vector<16xi32>,
        tpu.vector_store_idx %arg7[%parallel_loop3A_156], %broadcast_in_dim3A_58 {add = true} : memref<10240xf32, #tpu.memory_space<vmem>>[vector<16xi32>], vector<16xf32>,
      } {sc.loop_unroll_factor = 4 : i64, sc.parallel_access}
    } else {
    }
    "tpu.region"() ({
      %run_scoped3A = tpu.sem_alloc : memref<!tpu.dma_semaphore, #tpu.memory_space<semaphore_mem>>
      %dma_start3A_137 = arith.constant 0 : i32
      %dma_start3A_138 = tpu.memref_slice %arg18[%arg1, %dma_start3A_137] : memref<16x10240xf32, #tpu.memory_space<vmem_shared>> -> memref<1x10240xf32, #tpu.memory_space<vmem_shared>>
      %dma_start3A_139 = tpu.memref_squeeze %dma_start3A_138 : memref<1x10240xf32, #tpu.memory_space<vmem_shared>> -> memref<10240xf32, #tpu.memory_space<vmem_shared>>
      %dma_start3A_140 = arith.constant 0 : i32
      %dma_start3A_141 = tpu.memref_slice %arg18[%arg1, %dma_start3A_140] : memref<16x10240xf32, #tpu.memory_space<vmem_shared>> -> memref<1x10240xf32, #tpu.memory_space<vmem_shared>>
      %dma_start3A_142 = tpu.memref_squeeze %dma_start3A_141 : memref<1x10240xf32, #tpu.memory_space<vmem_shared>> -> memref<10240xf32, #tpu.memory_space<vmem_shared>>
      tpu.enqueue_dma source(%arg7 : memref<10240xf32, #tpu.memory_space<vmem>>) target(%dma_start3A_142 : memref<10240xf32, #tpu.memory_space<vmem_shared>>) target_semaphore(%run_scoped3A : memref<!tpu.dma_semaphore, #tpu.memory_space<semaphore_mem>>)
      %dma_wait3A_143 = arith.constant 0 : i32
      %dma_wait3A_144 = tpu.memref_slice %arg18[%arg1, %dma_wait3A_143] : memref<16x10240xf32, #tpu.memory_space<vmem_shared>> -> memref<1x10240xf32, #tpu.memory_space<vmem_shared>>
      %dma_wait3A_145 = tpu.memref_squeeze %dma_wait3A_144 : memref<1x10240xf32, #tpu.memory_space<vmem_shared>> -> memref<10240xf32, #tpu.memory_space<vmem_shared>>
      %dma_wait3A_146 = arith.constant 0 : i32
      %dma_wait3A_147 = tpu.memref_slice %arg18[%arg1, %dma_wait3A_146] : memref<16x10240xf32, #tpu.memory_space<vmem_shared>> -> memref<1x10240xf32, #tpu.memory_space<vmem_shared>>
      %dma_wait3A_148 = tpu.memref_squeeze %dma_wait3A_147 : memref<1x10240xf32, #tpu.memory_space<vmem_shared>> -> memref<10240xf32, #tpu.memory_space<vmem_shared>>
      tpu.wait_dma2 semaphore(%run_scoped3A : memref<!tpu.dma_semaphore, #tpu.memory_space<semaphore_mem>>) src(%arg7 : memref<10240xf32, #tpu.memory_space<vmem>>) dst(%dma_wait3A_148 : memref<10240xf32, #tpu.memory_space<vmem_shared>>)
      tpu.yield
    }) : () -> ()
    %barrier3A = arith.constant 0 : index
    tpu.barrier barrier_id(%barrier3A)
    "tpu.region"() ({
      %run_scoped3A = tpu.sem_alloc : memref<!tpu.dma_semaphore, #tpu.memory_space<semaphore_mem>>
      %dma_start3A_137 = arith.constant 0 : i32
      %dma_start3A_138 = tpu.memref_slice %arg18[%dma_start3A_137, %mul3A_0] : memref<16x10240xf32, #tpu.memory_space<vmem_shared>> -> memref<16x640xf32, #tpu.memory_space<vmem_shared>>
      %dma_start3A_139 = arith.constant 0 : i32
      %dma_start3A_140 = tpu.memref_slice %arg18[%dma_start3A_139, %mul3A_0] : memref<16x10240xf32, #tpu.memory_space<vmem_shared>> -> memref<16x640xf32, #tpu.memory_space<vmem_shared>>
      tpu.enqueue_dma source(%dma_start3A_140 : memref<16x640xf32, #tpu.memory_space<vmem_shared>>) target(%arg12 : memref<16x640xf32, #tpu.memory_space<vmem>>) target_semaphore(%run_scoped3A : memref<!tpu.dma_semaphore, #tpu.memory_space<semaphore_mem>>)
      %dma_wait3A_141 = arith.constant 0 : i32
      %dma_wait3A_142 = tpu.memref_slice %arg18[%dma_wait3A_141, %mul3A_0] : memref<16x10240xf32, #tpu.memory_space<vmem_shared>> -> memref<16x640xf32, #tpu.memory_space<vmem_shared>>
      %dma_wait3A_143 = arith.constant 0 : i32
      %dma_wait3A_144 = tpu.memref_slice %arg18[%dma_wait3A_143, %mul3A_0] : memref<16x10240xf32, #tpu.memory_space<vmem_shared>> -> memref<16x640xf32, #tpu.memory_space<vmem_shared>>
      tpu.wait_dma2 semaphore(%run_scoped3A : memref<!tpu.dma_semaphore, #tpu.memory_space<semaphore_mem>>) src(%dma_wait3A_144 : memref<16x640xf32, #tpu.memory_space<vmem_shared>>) dst(%arg12 : memref<16x640xf32, #tpu.memory_space<vmem>>)
      tpu.yield
    }) : () -> ()
    %dma_wait3A_115 = arith.constant 0 : i32
    %dma_wait3A_116 = tpu.memref_slice %arg9[%dma_wait3A_115] : memref<10240xf32, #tpu.memory_space<vmem>> -> memref<10000xf32, #tpu.memory_space<vmem>>
    %dma_wait3A_117 = arith.constant 0 : i32
    %dma_wait3A_118 = tpu.memref_slice %arg9[%dma_wait3A_117] : memref<10240xf32, #tpu.memory_space<vmem>> -> memref<10000xf32, #tpu.memory_space<vmem>>
    tpu.wait_dma2 semaphore(%arg17 : memref<!tpu.dma_semaphore, #tpu.memory_space<semaphore_mem>>) src(%arg3 : memref<10000xf32, #tpu.memory_space<hbm>>) dst(%dma_wait3A_118 : memref<10000xf32, #tpu.memory_space<vmem>>)
    %parallel_loop3A_119 = arith.constant 0 : i32
    %parallel_loop3A_120 = arith.constant 640 : i32
    %parallel_loop3A_121 = arith.constant 16 : i32
    scf.for %parallel_loop3A_137 = %parallel_loop3A_119 to %parallel_loop3A_120 step %parallel_loop3A_121  : i32 {
      %parallel_loop3A_138 = arith.constant 0 : i32
      %parallel_loop3A_139 = arith.index_cast %parallel_loop3A_138 : i32 to index
      %parallel_loop3A_140 = arith.index_cast %parallel_loop3A_137 : i32 to index
      %parallel_loop3A_141 = tpu.vector_load %arg12[%parallel_loop3A_139, %parallel_loop3A_140] {strides = array<i32>} : memref<16x640xf32, #tpu.memory_space<vmem>>, vector<16xf32>,
      %parallel_loop3A_142 = arith.constant 1 : i32
      %parallel_loop3A_143 = arith.index_cast %parallel_loop3A_142 : i32 to index
      %parallel_loop3A_144 = arith.index_cast %parallel_loop3A_137 : i32 to index
      %parallel_loop3A_145 = tpu.vector_load %arg12[%parallel_loop3A_143, %parallel_loop3A_144] {strides = array<i32>} : memref<16x640xf32, #tpu.memory_space<vmem>>, vector<16xf32>,
      %parallel_loop3A_146 = arith.addf %parallel_loop3A_141, %parallel_loop3A_145 : vector<16xf32>
      %parallel_loop3A_147 = arith.constant 2 : i32
      %parallel_loop3A_148 = arith.index_cast %parallel_loop3A_147 : i32 to index
      %parallel_loop3A_149 = arith.index_cast %parallel_loop3A_137 : i32 to index
      %parallel_loop3A_150 = tpu.vector_load %arg12[%parallel_loop3A_148, %parallel_loop3A_149] {strides = array<i32>} : memref<16x640xf32, #tpu.memory_space<vmem>>, vector<16xf32>,
      %parallel_loop3A_151 = arith.addf %parallel_loop3A_146, %parallel_loop3A_150 : vector<16xf32>
      %parallel_loop3A_152 = arith.constant 3 : i32
      %parallel_loop3A_153 = arith.index_cast %parallel_loop3A_152 : i32 to index
      %parallel_loop3A_154 = arith.index_cast %parallel_loop3A_137 : i32 to index
      %parallel_loop3A_155 = tpu.vector_load %arg12[%parallel_loop3A_153, %parallel_loop3A_154] {strides = array<i32>} : memref<16x640xf32, #tpu.memory_space<vmem>>, vector<16xf32>,
      %parallel_loop3A_156 = arith.addf %parallel_loop3A_151, %parallel_loop3A_155 : vector<16xf32>
      %parallel_loop3A_157 = arith.constant 4 : i32
      %parallel_loop3A_158 = arith.index_cast %parallel_loop3A_157 : i32 to index
      %parallel_loop3A_159 = arith.index_cast %parallel_loop3A_137 : i32 to index
      %parallel_loop3A_160 = tpu.vector_load %arg12[%parallel_loop3A_158, %parallel_loop3A_159] {strides = array<i32>} : memref<16x640xf32, #tpu.memory_space<vmem>>, vector<16xf32>,
      %parallel_loop3A_161 = arith.addf %parallel_loop3A_156, %parallel_loop3A_160 : vector<16xf32>
      %parallel_loop3A_162 = arith.constant 5 : i32
      %parallel_loop3A_163 = arith.index_cast %parallel_loop3A_162 : i32 to index
      %parallel_loop3A_164 = arith.index_cast %parallel_loop3A_137 : i32 to index
      %parallel_loop3A_165 = tpu.vector_load %arg12[%parallel_loop3A_163, %parallel_loop3A_164] {strides = array<i32>} : memref<16x640xf32, #tpu.memory_space<vmem>>, vector<16xf32>,
      %parallel_loop3A_166 = arith.addf %parallel_loop3A_161, %parallel_loop3A_165 : vector<16xf32>
      %parallel_loop3A_167 = arith.constant 6 : i32
      %parallel_loop3A_168 = arith.index_cast %parallel_loop3A_167 : i32 to index
      %parallel_loop3A_169 = arith.index_cast %parallel_loop3A_137 : i32 to index
      %parallel_loop3A_170 = tpu.vector_load %arg12[%parallel_loop3A_168, %parallel_loop3A_169] {strides = array<i32>} : memref<16x640xf32, #tpu.memory_space<vmem>>, vector<16xf32>,
      %parallel_loop3A_171 = arith.addf %parallel_loop3A_166, %parallel_loop3A_170 : vector<16xf32>
      %parallel_loop3A_172 = arith.constant 7 : i32
      %parallel_loop3A_173 = arith.index_cast %parallel_loop3A_172 : i32 to index
      %parallel_loop3A_174 = arith.index_cast %parallel_loop3A_137 : i32 to index
      %parallel_loop3A_175 = tpu.vector_load %arg12[%parallel_loop3A_173, %parallel_loop3A_174] {strides = array<i32>} : memref<16x640xf32, #tpu.memory_space<vmem>>, vector<16xf32>,
      %parallel_loop3A_176 = arith.addf %parallel_loop3A_171, %parallel_loop3A_175 : vector<16xf32>
      %parallel_loop3A_177 = arith.constant 8 : i32
      %parallel_loop3A_178 = arith.index_cast %parallel_loop3A_177 : i32 to index
      %parallel_loop3A_179 = arith.index_cast %parallel_loop3A_137 : i32 to index
      %parallel_loop3A_180 = tpu.vector_load %arg12[%parallel_loop3A_178, %parallel_loop3A_179] {strides = array<i32>} : memref<16x640xf32, #tpu.memory_space<vmem>>, vector<16xf32>,
      %parallel_loop3A_181 = arith.addf %parallel_loop3A_176, %parallel_loop3A_180 : vector<16xf32>
      %parallel_loop3A_182 = arith.constant 9 : i32
      %parallel_loop3A_183 = arith.index_cast %parallel_loop3A_182 : i32 to index
      %parallel_loop3A_184 = arith.index_cast %parallel_loop3A_137 : i32 to index
      %parallel_loop3A_185 = tpu.vector_load %arg12[%parallel_loop3A_183, %parallel_loop3A_184] {strides = array<i32>} : memref<16x640xf32, #tpu.memory_space<vmem>>, vector<16xf32>,
      %parallel_loop3A_186 = arith.addf %parallel_loop3A_181, %parallel_loop3A_185 : vector<16xf32>
      %parallel_loop3A_187 = arith.constant 10 : i32
      %parallel_loop3A_188 = arith.index_cast %parallel_loop3A_187 : i32 to index
      %parallel_loop3A_189 = arith.index_cast %parallel_loop3A_137 : i32 to index
      %parallel_loop3A_190 = tpu.vector_load %arg12[%parallel_loop3A_188, %parallel_loop3A_189] {strides = array<i32>} : memref<16x640xf32, #tpu.memory_space<vmem>>, vector<16xf32>,
      %parallel_loop3A_191 = arith.addf %parallel_loop3A_186, %parallel_loop3A_190 : vector<16xf32>
      %parallel_loop3A_192 = arith.constant 11 : i32
      %parallel_loop3A_193 = arith.index_cast %parallel_loop3A_192 : i32 to index
      %parallel_loop3A_194 = arith.index_cast %parallel_loop3A_137 : i32 to index
      %parallel_loop3A_195 = tpu.vector_load %arg12[%parallel_loop3A_193, %parallel_loop3A_194] {strides = array<i32>} : memref<16x640xf32, #tpu.memory_space<vmem>>, vector<16xf32>,
      %parallel_loop3A_196 = arith.addf %parallel_loop3A_191, %parallel_loop3A_195 : vector<16xf32>
      %parallel_loop3A_197 = arith.constant 12 : i32
      %parallel_loop3A_198 = arith.index_cast %parallel_loop3A_197 : i32 to index
      %parallel_loop3A_199 = arith.index_cast %parallel_loop3A_137 : i32 to index
      %parallel_loop3A_200 = tpu.vector_load %arg12[%parallel_loop3A_198, %parallel_loop3A_199] {strides = array<i32>} : memref<16x640xf32, #tpu.memory_space<vmem>>, vector<16xf32>,
      %parallel_loop3A_201 = arith.addf %parallel_loop3A_196, %parallel_loop3A_200 : vector<16xf32>
      %parallel_loop3A_202 = arith.constant 13 : i32
      %parallel_loop3A_203 = arith.index_cast %parallel_loop3A_202 : i32 to index
      %parallel_loop3A_204 = arith.index_cast %parallel_loop3A_137 : i32 to index
      %parallel_loop3A_205 = tpu.vector_load %arg12[%parallel_loop3A_203, %parallel_loop3A_204] {strides = array<i32>} : memref<16x640xf32, #tpu.memory_space<vmem>>, vector<16xf32>,
      %parallel_loop3A_206 = arith.addf %parallel_loop3A_201, %parallel_loop3A_205 : vector<16xf32>
      %parallel_loop3A_207 = arith.constant 14 : i32
      %parallel_loop3A_208 = arith.index_cast %parallel_loop3A_207 : i32 to index
      %parallel_loop3A_209 = arith.index_cast %parallel_loop3A_137 : i32 to index
      %parallel_loop3A_210 = tpu.vector_load %arg12[%parallel_loop3A_208, %parallel_loop3A_209] {strides = array<i32>} : memref<16x640xf32, #tpu.memory_space<vmem>>, vector<16xf32>,
      %parallel_loop3A_211 = arith.addf %parallel_loop3A_206, %parallel_loop3A_210 : vector<16xf32>
      %parallel_loop3A_212 = arith.constant 15 : i32
      %parallel_loop3A_213 = arith.index_cast %parallel_loop3A_212 : i32 to index
      %parallel_loop3A_214 = arith.index_cast %parallel_loop3A_137 : i32 to index
      %parallel_loop3A_215 = tpu.vector_load %arg12[%parallel_loop3A_213, %parallel_loop3A_214] {strides = array<i32>} : memref<16x640xf32, #tpu.memory_space<vmem>>, vector<16xf32>,
      %parallel_loop3A_216 = arith.addf %parallel_loop3A_211, %parallel_loop3A_215 : vector<16xf32>
      %parallel_loop3A_217 = arith.constant 1.000000e+00 : f32
      %parallel_loop3A_218 = vector.broadcast %parallel_loop3A_217 : f32 to vector<16xf32>
      %parallel_loop3A_219 = arith.addf %parallel_loop3A_216, %parallel_loop3A_218 : vector<16xf32>
      %parallel_loop3A_220 = vector.bitcast %parallel_loop3A_219 : vector<16xf32> to vector<16xi32>
      %parallel_loop3A_221 = arith.constant 1 : i32
      %parallel_loop3A_222 = vector.broadcast %parallel_loop3A_221 : i32 to vector<16xi32>
      %parallel_loop3A_223 = arith.shrsi %parallel_loop3A_220, %parallel_loop3A_222 : vector<16xi32>
      %parallel_loop3A_224 = arith.constant 1597463007 : i32
      %parallel_loop3A_225 = vector.broadcast %parallel_loop3A_224 : i32 to vector<16xi32>
      %parallel_loop3A_226 = arith.subi %parallel_loop3A_225, %parallel_loop3A_223 : vector<16xi32>
      %parallel_loop3A_227 = vector.bitcast %parallel_loop3A_226 : vector<16xi32> to vector<16xf32>
      %parallel_loop3A_228 = arith.constant 5.000000e-01 : f32
      %parallel_loop3A_229 = vector.broadcast %parallel_loop3A_228 : f32 to vector<16xf32>
      %parallel_loop3A_230 = arith.mulf %parallel_loop3A_229, %parallel_loop3A_219 : vector<16xf32>
      %parallel_loop3A_231 = arith.mulf %parallel_loop3A_230, %parallel_loop3A_227 : vector<16xf32>
      %parallel_loop3A_232 = arith.mulf %parallel_loop3A_231, %parallel_loop3A_227 : vector<16xf32>
      %parallel_loop3A_233 = arith.constant 1.500000e+00 : f32
      %parallel_loop3A_234 = vector.broadcast %parallel_loop3A_233 : f32 to vector<16xf32>
      %parallel_loop3A_235 = arith.subf %parallel_loop3A_234, %parallel_loop3A_232 : vector<16xf32>
      %parallel_loop3A_236 = arith.mulf %parallel_loop3A_227, %parallel_loop3A_235 : vector<16xf32>
      %parallel_loop3A_237 = arith.constant 5.000000e-01 : f32
      %parallel_loop3A_238 = vector.broadcast %parallel_loop3A_237 : f32 to vector<16xf32>
      %parallel_loop3A_239 = arith.mulf %parallel_loop3A_238, %parallel_loop3A_219 : vector<16xf32>
      %parallel_loop3A_240 = arith.mulf %parallel_loop3A_239, %parallel_loop3A_236 : vector<16xf32>
      %parallel_loop3A_241 = arith.mulf %parallel_loop3A_240, %parallel_loop3A_236 : vector<16xf32>
      %parallel_loop3A_242 = arith.constant 1.500000e+00 : f32
      %parallel_loop3A_243 = vector.broadcast %parallel_loop3A_242 : f32 to vector<16xf32>
      %parallel_loop3A_244 = arith.subf %parallel_loop3A_243, %parallel_loop3A_241 : vector<16xf32>
      %parallel_loop3A_245 = arith.mulf %parallel_loop3A_236, %parallel_loop3A_244 : vector<16xf32>
      %parallel_loop3A_246 = arith.constant 5.000000e-01 : f32
      %parallel_loop3A_247 = vector.broadcast %parallel_loop3A_246 : f32 to vector<16xf32>
      %parallel_loop3A_248 = arith.mulf %parallel_loop3A_247, %parallel_loop3A_219 : vector<16xf32>
      %parallel_loop3A_249 = arith.mulf %parallel_loop3A_248, %parallel_loop3A_245 : vector<16xf32>
      %parallel_loop3A_250 = arith.mulf %parallel_loop3A_249, %parallel_loop3A_245 : vector<16xf32>
      %parallel_loop3A_251 = arith.constant 1.500000e+00 : f32
      %parallel_loop3A_252 = vector.broadcast %parallel_loop3A_251 : f32 to vector<16xf32>
      %parallel_loop3A_253 = arith.subf %parallel_loop3A_252, %parallel_loop3A_250 : vector<16xf32>
      %parallel_loop3A_254 = arith.mulf %parallel_loop3A_245, %parallel_loop3A_253 : vector<16xf32>
      %parallel_loop3A_255 = arith.index_cast %parallel_loop3A_137 : i32 to index
      %parallel_loop3A_256 = tpu.vector_load %arg10[%parallel_loop3A_255] {strides = array<i32>} : memref<640xf32, #tpu.memory_space<vmem>>, vector<16xf32>,
      tpu.vector_store %arg10[%parallel_loop3A_255], %parallel_loop3A_254 {strides = array<i32>} : memref<640xf32, #tpu.memory_space<vmem>>, vector<16xf32>,
      %parallel_loop3A_257 = arith.addi %mul3A_0, %parallel_loop3A_137 : i32
      %parallel_loop3A_258 = arith.index_cast %parallel_loop3A_257 : i32 to index
      %parallel_loop3A_259 = tpu.vector_load %arg9[%parallel_loop3A_258] {strides = array<i32>} : memref<10240xf32, #tpu.memory_space<vmem>>, vector<16xf32>,
      %parallel_loop3A_260 = arith.mulf %parallel_loop3A_259, %parallel_loop3A_254 : vector<16xf32>
      %parallel_loop3A_261 = arith.index_cast %parallel_loop3A_137 : i32 to index
      %parallel_loop3A_262 = tpu.vector_load %arg11[%parallel_loop3A_261] {strides = array<i32>} : memref<640xf32, #tpu.memory_space<vmem>>, vector<16xf32>,
      tpu.vector_store %arg11[%parallel_loop3A_261], %parallel_loop3A_260 {strides = array<i32>} : memref<640xf32, #tpu.memory_space<vmem>>, vector<16xf32>,
    } {sc.loop_unroll_factor = 2 : i64, sc.parallel_access}
    "tpu.region"() ({
      %run_scoped3A = tpu.sem_alloc : memref<!tpu.dma_semaphore, #tpu.memory_space<semaphore_mem>>
      %dma_start3A_137 = tpu.memref_slice %arg19[%mul3A_0] : memref<10240xf32, #tpu.memory_space<vmem_shared>> -> memref<640xf32, #tpu.memory_space<vmem_shared>>
      %dma_start3A_138 = tpu.memref_slice %arg19[%mul3A_0] : memref<10240xf32, #tpu.memory_space<vmem_shared>> -> memref<640xf32, #tpu.memory_space<vmem_shared>>
      tpu.enqueue_dma source(%arg11 : memref<640xf32, #tpu.memory_space<vmem>>) target(%dma_start3A_138 : memref<640xf32, #tpu.memory_space<vmem_shared>>) target_semaphore(%run_scoped3A : memref<!tpu.dma_semaphore, #tpu.memory_space<semaphore_mem>>)
      %dma_wait3A_139 = tpu.memref_slice %arg19[%mul3A_0] : memref<10240xf32, #tpu.memory_space<vmem_shared>> -> memref<640xf32, #tpu.memory_space<vmem_shared>>
      %dma_wait3A_140 = tpu.memref_slice %arg19[%mul3A_0] : memref<10240xf32, #tpu.memory_space<vmem_shared>> -> memref<640xf32, #tpu.memory_space<vmem_shared>>
      tpu.wait_dma2 semaphore(%run_scoped3A : memref<!tpu.dma_semaphore, #tpu.memory_space<semaphore_mem>>) src(%arg11 : memref<640xf32, #tpu.memory_space<vmem>>) dst(%dma_wait3A_140 : memref<640xf32, #tpu.memory_space<vmem_shared>>)
      tpu.yield
    }) : () -> ()
    %barrier3A_122 = arith.constant 0 : index
    tpu.barrier barrier_id(%barrier3A_122)
    "tpu.region"() ({
      %run_scoped3A = tpu.sem_alloc : memref<!tpu.dma_semaphore, #tpu.memory_space<semaphore_mem>>
      tpu.enqueue_dma source(%arg19 : memref<10240xf32, #tpu.memory_space<vmem_shared>>) target(%arg7 : memref<10240xf32, #tpu.memory_space<vmem>>) target_semaphore(%run_scoped3A : memref<!tpu.dma_semaphore, #tpu.memory_space<semaphore_mem>>)
      tpu.wait_dma2 semaphore(%run_scoped3A : memref<!tpu.dma_semaphore, #tpu.memory_space<semaphore_mem>>) src(%arg19 : memref<10240xf32, #tpu.memory_space<vmem_shared>>) dst(%arg7 : memref<10240xf32, #tpu.memory_space<vmem>>)
      tpu.yield
    }) : () -> ()
    %parallel_loop3A_123 = arith.constant 0 : i32
    %parallel_loop3A_124 = arith.constant 16 : i32
    scf.for %parallel_loop3A_137 = %parallel_loop3A_123 to %select_n3A step %parallel_loop3A_124  : i32 {
      %parallel_loop3A_138 = arith.constant 0 : i32
      %parallel_loop3A_139 = arith.index_cast %parallel_loop3A_138 : i32 to index
      %parallel_loop3A_140 = arith.index_cast %parallel_loop3A_137 : i32 to index
      %parallel_loop3A_141 = tpu.vector_load %arg6[%parallel_loop3A_139, %parallel_loop3A_140] {strides = array<i32>} : memref<2x20480xi32, #tpu.memory_space<vmem>>, vector<16xi32>,
      %parallel_loop3A_142 = tpu.vector_load_idx %arg7[%parallel_loop3A_141] : memref<10240xf32, #tpu.memory_space<vmem>>[vector<16xi32>], vector<16xf32>,
      %parallel_loop3A_143 = arith.constant 1 : i32
      %parallel_loop3A_144 = arith.index_cast %parallel_loop3A_143 : i32 to index
      %parallel_loop3A_145 = arith.index_cast %parallel_loop3A_137 : i32 to index
      %parallel_loop3A_146 = tpu.vector_load %arg6[%parallel_loop3A_144, %parallel_loop3A_145] {strides = array<i32>} : memref<2x20480xi32, #tpu.memory_space<vmem>>, vector<16xi32>,
      tpu.vector_store_idx %arg8[%parallel_loop3A_146], %parallel_loop3A_142 {add = true} : memref<10240xf32, #tpu.memory_space<vmem>>[vector<16xi32>], vector<16xf32>,
    } {sc.loop_unroll_factor = 4 : i64, sc.parallel_access}
    "tpu.region"() ({
      %run_scoped3A = tpu.sem_alloc : memref<!tpu.dma_semaphore, #tpu.memory_space<semaphore_mem>>
      %dma_start3A_137 = arith.constant 0 : i32
      %dma_start3A_138 = tpu.memref_slice %arg18[%arg1, %dma_start3A_137] : memref<16x10240xf32, #tpu.memory_space<vmem_shared>> -> memref<1x10240xf32, #tpu.memory_space<vmem_shared>>
      %dma_start3A_139 = tpu.memref_squeeze %dma_start3A_138 : memref<1x10240xf32, #tpu.memory_space<vmem_shared>> -> memref<10240xf32, #tpu.memory_space<vmem_shared>>
      %dma_start3A_140 = arith.constant 0 : i32
      %dma_start3A_141 = tpu.memref_slice %arg18[%arg1, %dma_start3A_140] : memref<16x10240xf32, #tpu.memory_space<vmem_shared>> -> memref<1x10240xf32, #tpu.memory_space<vmem_shared>>
      %dma_start3A_142 = tpu.memref_squeeze %dma_start3A_141 : memref<1x10240xf32, #tpu.memory_space<vmem_shared>> -> memref<10240xf32, #tpu.memory_space<vmem_shared>>
      tpu.enqueue_dma source(%arg8 : memref<10240xf32, #tpu.memory_space<vmem>>) target(%dma_start3A_142 : memref<10240xf32, #tpu.memory_space<vmem_shared>>) target_semaphore(%run_scoped3A : memref<!tpu.dma_semaphore, #tpu.memory_space<semaphore_mem>>)
      %dma_wait3A_143 = arith.constant 0 : i32
      %dma_wait3A_144 = tpu.memref_slice %arg18[%arg1, %dma_wait3A_143] : memref<16x10240xf32, #tpu.memory_space<vmem_shared>> -> memref<1x10240xf32, #tpu.memory_space<vmem_shared>>
      %dma_wait3A_145 = tpu.memref_squeeze %dma_wait3A_144 : memref<1x10240xf32, #tpu.memory_space<vmem_shared>> -> memref<10240xf32, #tpu.memory_space<vmem_shared>>
      %dma_wait3A_146 = arith.constant 0 : i32
      %dma_wait3A_147 = tpu.memref_slice %arg18[%arg1, %dma_wait3A_146] : memref<16x10240xf32, #tpu.memory_space<vmem_shared>> -> memref<1x10240xf32, #tpu.memory_space<vmem_shared>>
      %dma_wait3A_148 = tpu.memref_squeeze %dma_wait3A_147 : memref<1x10240xf32, #tpu.memory_space<vmem_shared>> -> memref<10240xf32, #tpu.memory_space<vmem_shared>>
      tpu.wait_dma2 semaphore(%run_scoped3A : memref<!tpu.dma_semaphore, #tpu.memory_space<semaphore_mem>>) src(%arg8 : memref<10240xf32, #tpu.memory_space<vmem>>) dst(%dma_wait3A_148 : memref<10240xf32, #tpu.memory_space<vmem_shared>>)
      tpu.yield
    }) : () -> ()
    %barrier3A_125 = arith.constant 0 : index
    tpu.barrier barrier_id(%barrier3A_125)
    "tpu.region"() ({
      %run_scoped3A = tpu.sem_alloc : memref<!tpu.dma_semaphore, #tpu.memory_space<semaphore_mem>>
      %dma_start3A_137 = arith.constant 0 : i32
      %dma_start3A_138 = tpu.memref_slice %arg18[%dma_start3A_137, %mul3A_0] : memref<16x10240xf32, #tpu.memory_space<vmem_shared>> -> memref<16x640xf32, #tpu.memory_space<vmem_shared>>
      %dma_start3A_139 = arith.constant 0 : i32
      %dma_start3A_140 = tpu.memref_slice %arg18[%dma_start3A_139, %mul3A_0] : memref<16x10240xf32, #tpu.memory_space<vmem_shared>> -> memref<16x640xf32, #tpu.memory_space<vmem_shared>>
      tpu.enqueue_dma source(%dma_start3A_140 : memref<16x640xf32, #tpu.memory_space<vmem_shared>>) target(%arg12 : memref<16x640xf32, #tpu.memory_space<vmem>>) target_semaphore(%run_scoped3A : memref<!tpu.dma_semaphore, #tpu.memory_space<semaphore_mem>>)
      %dma_wait3A_141 = arith.constant 0 : i32
      %dma_wait3A_142 = tpu.memref_slice %arg18[%dma_wait3A_141, %mul3A_0] : memref<16x10240xf32, #tpu.memory_space<vmem_shared>> -> memref<16x640xf32, #tpu.memory_space<vmem_shared>>
      %dma_wait3A_143 = arith.constant 0 : i32
      %dma_wait3A_144 = tpu.memref_slice %arg18[%dma_wait3A_143, %mul3A_0] : memref<16x10240xf32, #tpu.memory_space<vmem_shared>> -> memref<16x640xf32, #tpu.memory_space<vmem_shared>>
      tpu.wait_dma2 semaphore(%run_scoped3A : memref<!tpu.dma_semaphore, #tpu.memory_space<semaphore_mem>>) src(%dma_wait3A_144 : memref<16x640xf32, #tpu.memory_space<vmem_shared>>) dst(%arg12 : memref<16x640xf32, #tpu.memory_space<vmem>>)
      tpu.yield
    }) : () -> ()
    %get3A = arith.constant 0 : index
    %get3A_126 = tpu.vector_load %arg14[%get3A] {strides = array<i32>} : memref<16xf32, #tpu.memory_space<vmem>>, vector<16xf32>,
    %parallel_loop3A_127 = arith.constant 0 : i32
    %parallel_loop3A_128 = arith.constant 640 : i32
    %parallel_loop3A_129 = arith.constant 16 : i32
    scf.for %parallel_loop3A_137 = %parallel_loop3A_127 to %parallel_loop3A_128 step %parallel_loop3A_129  : i32 {
      %parallel_loop3A_138 = arith.constant 0 : i32
      %parallel_loop3A_139 = arith.index_cast %parallel_loop3A_138 : i32 to index
      %parallel_loop3A_140 = arith.index_cast %parallel_loop3A_137 : i32 to index
      %parallel_loop3A_141 = tpu.vector_load %arg12[%parallel_loop3A_139, %parallel_loop3A_140] {strides = array<i32>} : memref<16x640xf32, #tpu.memory_space<vmem>>, vector<16xf32>,
      %parallel_loop3A_142 = arith.constant 1 : i32
      %parallel_loop3A_143 = arith.index_cast %parallel_loop3A_142 : i32 to index
      %parallel_loop3A_144 = arith.index_cast %parallel_loop3A_137 : i32 to index
      %parallel_loop3A_145 = tpu.vector_load %arg12[%parallel_loop3A_143, %parallel_loop3A_144] {strides = array<i32>} : memref<16x640xf32, #tpu.memory_space<vmem>>, vector<16xf32>,
      %parallel_loop3A_146 = arith.addf %parallel_loop3A_141, %parallel_loop3A_145 : vector<16xf32>
      %parallel_loop3A_147 = arith.constant 2 : i32
      %parallel_loop3A_148 = arith.index_cast %parallel_loop3A_147 : i32 to index
      %parallel_loop3A_149 = arith.index_cast %parallel_loop3A_137 : i32 to index
      %parallel_loop3A_150 = tpu.vector_load %arg12[%parallel_loop3A_148, %parallel_loop3A_149] {strides = array<i32>} : memref<16x640xf32, #tpu.memory_space<vmem>>, vector<16xf32>,
      %parallel_loop3A_151 = arith.addf %parallel_loop3A_146, %parallel_loop3A_150 : vector<16xf32>
      %parallel_loop3A_152 = arith.constant 3 : i32
      %parallel_loop3A_153 = arith.index_cast %parallel_loop3A_152 : i32 to index
      %parallel_loop3A_154 = arith.index_cast %parallel_loop3A_137 : i32 to index
      %parallel_loop3A_155 = tpu.vector_load %arg12[%parallel_loop3A_153, %parallel_loop3A_154] {strides = array<i32>} : memref<16x640xf32, #tpu.memory_space<vmem>>, vector<16xf32>,
      %parallel_loop3A_156 = arith.addf %parallel_loop3A_151, %parallel_loop3A_155 : vector<16xf32>
      %parallel_loop3A_157 = arith.constant 4 : i32
      %parallel_loop3A_158 = arith.index_cast %parallel_loop3A_157 : i32 to index
      %parallel_loop3A_159 = arith.index_cast %parallel_loop3A_137 : i32 to index
      %parallel_loop3A_160 = tpu.vector_load %arg12[%parallel_loop3A_158, %parallel_loop3A_159] {strides = array<i32>} : memref<16x640xf32, #tpu.memory_space<vmem>>, vector<16xf32>,
      %parallel_loop3A_161 = arith.addf %parallel_loop3A_156, %parallel_loop3A_160 : vector<16xf32>
      %parallel_loop3A_162 = arith.constant 5 : i32
      %parallel_loop3A_163 = arith.index_cast %parallel_loop3A_162 : i32 to index
      %parallel_loop3A_164 = arith.index_cast %parallel_loop3A_137 : i32 to index
      %parallel_loop3A_165 = tpu.vector_load %arg12[%parallel_loop3A_163, %parallel_loop3A_164] {strides = array<i32>} : memref<16x640xf32, #tpu.memory_space<vmem>>, vector<16xf32>,
      %parallel_loop3A_166 = arith.addf %parallel_loop3A_161, %parallel_loop3A_165 : vector<16xf32>
      %parallel_loop3A_167 = arith.constant 6 : i32
      %parallel_loop3A_168 = arith.index_cast %parallel_loop3A_167 : i32 to index
      %parallel_loop3A_169 = arith.index_cast %parallel_loop3A_137 : i32 to index
      %parallel_loop3A_170 = tpu.vector_load %arg12[%parallel_loop3A_168, %parallel_loop3A_169] {strides = array<i32>} : memref<16x640xf32, #tpu.memory_space<vmem>>, vector<16xf32>,
      %parallel_loop3A_171 = arith.addf %parallel_loop3A_166, %parallel_loop3A_170 : vector<16xf32>
      %parallel_loop3A_172 = arith.constant 7 : i32
      %parallel_loop3A_173 = arith.index_cast %parallel_loop3A_172 : i32 to index
      %parallel_loop3A_174 = arith.index_cast %parallel_loop3A_137 : i32 to index
      %parallel_loop3A_175 = tpu.vector_load %arg12[%parallel_loop3A_173, %parallel_loop3A_174] {strides = array<i32>} : memref<16x640xf32, #tpu.memory_space<vmem>>, vector<16xf32>,
      %parallel_loop3A_176 = arith.addf %parallel_loop3A_171, %parallel_loop3A_175 : vector<16xf32>
      %parallel_loop3A_177 = arith.constant 8 : i32
      %parallel_loop3A_178 = arith.index_cast %parallel_loop3A_177 : i32 to index
      %parallel_loop3A_179 = arith.index_cast %parallel_loop3A_137 : i32 to index
      %parallel_loop3A_180 = tpu.vector_load %arg12[%parallel_loop3A_178, %parallel_loop3A_179] {strides = array<i32>} : memref<16x640xf32, #tpu.memory_space<vmem>>, vector<16xf32>,
      %parallel_loop3A_181 = arith.addf %parallel_loop3A_176, %parallel_loop3A_180 : vector<16xf32>
      %parallel_loop3A_182 = arith.constant 9 : i32
      %parallel_loop3A_183 = arith.index_cast %parallel_loop3A_182 : i32 to index
      %parallel_loop3A_184 = arith.index_cast %parallel_loop3A_137 : i32 to index
      %parallel_loop3A_185 = tpu.vector_load %arg12[%parallel_loop3A_183, %parallel_loop3A_184] {strides = array<i32>} : memref<16x640xf32, #tpu.memory_space<vmem>>, vector<16xf32>,
      %parallel_loop3A_186 = arith.addf %parallel_loop3A_181, %parallel_loop3A_185 : vector<16xf32>
      %parallel_loop3A_187 = arith.constant 10 : i32
      %parallel_loop3A_188 = arith.index_cast %parallel_loop3A_187 : i32 to index
      %parallel_loop3A_189 = arith.index_cast %parallel_loop3A_137 : i32 to index
      %parallel_loop3A_190 = tpu.vector_load %arg12[%parallel_loop3A_188, %parallel_loop3A_189] {strides = array<i32>} : memref<16x640xf32, #tpu.memory_space<vmem>>, vector<16xf32>,
      %parallel_loop3A_191 = arith.addf %parallel_loop3A_186, %parallel_loop3A_190 : vector<16xf32>
      %parallel_loop3A_192 = arith.constant 11 : i32
      %parallel_loop3A_193 = arith.index_cast %parallel_loop3A_192 : i32 to index
      %parallel_loop3A_194 = arith.index_cast %parallel_loop3A_137 : i32 to index
      %parallel_loop3A_195 = tpu.vector_load %arg12[%parallel_loop3A_193, %parallel_loop3A_194] {strides = array<i32>} : memref<16x640xf32, #tpu.memory_space<vmem>>, vector<16xf32>,
      %parallel_loop3A_196 = arith.addf %parallel_loop3A_191, %parallel_loop3A_195 : vector<16xf32>
      %parallel_loop3A_197 = arith.constant 12 : i32
      %parallel_loop3A_198 = arith.index_cast %parallel_loop3A_197 : i32 to index
      %parallel_loop3A_199 = arith.index_cast %parallel_loop3A_137 : i32 to index
      %parallel_loop3A_200 = tpu.vector_load %arg12[%parallel_loop3A_198, %parallel_loop3A_199] {strides = array<i32>} : memref<16x640xf32, #tpu.memory_space<vmem>>, vector<16xf32>,
      %parallel_loop3A_201 = arith.addf %parallel_loop3A_196, %parallel_loop3A_200 : vector<16xf32>
      %parallel_loop3A_202 = arith.constant 13 : i32
      %parallel_loop3A_203 = arith.index_cast %parallel_loop3A_202 : i32 to index
      %parallel_loop3A_204 = arith.index_cast %parallel_loop3A_137 : i32 to index
      %parallel_loop3A_205 = tpu.vector_load %arg12[%parallel_loop3A_203, %parallel_loop3A_204] {strides = array<i32>} : memref<16x640xf32, #tpu.memory_space<vmem>>, vector<16xf32>,
      %parallel_loop3A_206 = arith.addf %parallel_loop3A_201, %parallel_loop3A_205 : vector<16xf32>
      %parallel_loop3A_207 = arith.constant 14 : i32
      %parallel_loop3A_208 = arith.index_cast %parallel_loop3A_207 : i32 to index
      %parallel_loop3A_209 = arith.index_cast %parallel_loop3A_137 : i32 to index
      %parallel_loop3A_210 = tpu.vector_load %arg12[%parallel_loop3A_208, %parallel_loop3A_209] {strides = array<i32>} : memref<16x640xf32, #tpu.memory_space<vmem>>, vector<16xf32>,
      %parallel_loop3A_211 = arith.addf %parallel_loop3A_206, %parallel_loop3A_210 : vector<16xf32>
      %parallel_loop3A_212 = arith.constant 15 : i32
      %parallel_loop3A_213 = arith.index_cast %parallel_loop3A_212 : i32 to index
      %parallel_loop3A_214 = arith.index_cast %parallel_loop3A_137 : i32 to index
      %parallel_loop3A_215 = tpu.vector_load %arg12[%parallel_loop3A_213, %parallel_loop3A_214] {strides = array<i32>} : memref<16x640xf32, #tpu.memory_space<vmem>>, vector<16xf32>,
      %parallel_loop3A_216 = arith.addf %parallel_loop3A_211, %parallel_loop3A_215 : vector<16xf32>
      %parallel_loop3A_217 = arith.index_cast %parallel_loop3A_137 : i32 to index
      %parallel_loop3A_218 = tpu.vector_load %arg10[%parallel_loop3A_217] {strides = array<i32>} : memref<640xf32, #tpu.memory_space<vmem>>, vector<16xf32>,
      %parallel_loop3A_219 = arith.index_cast %parallel_loop3A_137 : i32 to index
      %parallel_loop3A_220 = tpu.vector_load %arg11[%parallel_loop3A_219] {strides = array<i32>} : memref<640xf32, #tpu.memory_space<vmem>>, vector<16xf32>,
      %parallel_loop3A_221 = arith.addf %parallel_loop3A_216, %parallel_loop3A_220 : vector<16xf32>
      %parallel_loop3A_222 = arith.mulf %parallel_loop3A_218, %parallel_loop3A_221 : vector<16xf32>
      %parallel_loop3A_223 = arith.addf %parallel_loop3A_222, %get3A_126 : vector<16xf32>
      %parallel_loop3A_224 = arith.index_cast %parallel_loop3A_137 : i32 to index
      %parallel_loop3A_225 = tpu.vector_load %arg13[%parallel_loop3A_224] {strides = array<i32>} : memref<640xf32, #tpu.memory_space<vmem>>, vector<16xf32>,
      tpu.vector_store %arg13[%parallel_loop3A_224], %parallel_loop3A_223 {strides = array<i32>} : memref<640xf32, #tpu.memory_space<vmem>>, vector<16xf32>,
    } {sc.loop_unroll_factor = 2 : i64, sc.parallel_access}
    %not3A = arith.constant true
    %not3A_130 = arith.xori %eq3A_3, %not3A : i1
    %convert_element_type3A_131 = arith.extui %not3A_130 : i1 to i32
    %cond3A_132 = arith.constant 0 : i32
    %cond3A_133 = arith.cmpi ne, %convert_element_type3A_131, %cond3A_132 : i32
    scf.if %cond3A_133 {
      "tpu.region"() ({
        %run_scoped3A = tpu.sem_alloc : memref<!tpu.dma_semaphore, #tpu.memory_space<semaphore_mem>>
        %dma_start3A_137 = tpu.memref_slice %arg5[%mul3A_0] : memref<10000xf32, #tpu.memory_space<hbm>> -> memref<640xf32, #tpu.memory_space<hbm>>
        %dma_start3A_138 = tpu.memref_slice %arg5[%mul3A_0] : memref<10000xf32, #tpu.memory_space<hbm>> -> memref<640xf32, #tpu.memory_space<hbm>>
        tpu.enqueue_dma source(%arg13 : memref<640xf32, #tpu.memory_space<vmem>>) target(%dma_start3A_138 : memref<640xf32, #tpu.memory_space<hbm>>) target_semaphore(%run_scoped3A : memref<!tpu.dma_semaphore, #tpu.memory_space<semaphore_mem>>)
        %dma_wait3A_139 = tpu.memref_slice %arg5[%mul3A_0] : memref<10000xf32, #tpu.memory_space<hbm>> -> memref<640xf32, #tpu.memory_space<hbm>>
        %dma_wait3A_140 = tpu.memref_slice %arg5[%mul3A_0] : memref<10000xf32, #tpu.memory_space<hbm>> -> memref<640xf32, #tpu.memory_space<hbm>>
        tpu.wait_dma2 semaphore(%run_scoped3A : memref<!tpu.dma_semaphore, #tpu.memory_space<semaphore_mem>>) src(%arg13 : memref<640xf32, #tpu.memory_space<vmem>>) dst(%dma_wait3A_140 : memref<640xf32, #tpu.memory_space<hbm>>)
        tpu.yield
      }) : () -> ()
    } else {
    }
    %convert_element_type3A_134 = arith.extui %eq3A_3 : i1 to i32
    %cond3A_135 = arith.constant 0 : i32
    %cond3A_136 = arith.cmpi ne, %convert_element_type3A_134, %cond3A_135 : i32
    scf.if %cond3A_136 {
      "tpu.region"() ({
        %run_scoped3A = tpu.sem_alloc : memref<!tpu.dma_semaphore, #tpu.memory_space<semaphore_mem>>
        %dma_start3A_137 = arith.constant 0 : i32
        %dma_start3A_138 = tpu.memref_slice %arg13[%dma_start3A_137] : memref<640xf32, #tpu.memory_space<vmem>> -> memref<400xf32, #tpu.memory_space<vmem>>
        %dma_start3A_139 = tpu.memref_slice %arg5[%mul3A_0] : memref<10000xf32, #tpu.memory_space<hbm>> -> memref<400xf32, #tpu.memory_space<hbm>>
        %dma_start3A_140 = tpu.memref_slice %arg5[%mul3A_0] : memref<10000xf32, #tpu.memory_space<hbm>> -> memref<400xf32, #tpu.memory_space<hbm>>
        %dma_start3A_141 = arith.constant 0 : i32
        %dma_start3A_142 = tpu.memref_slice %arg13[%dma_start3A_141] : memref<640xf32, #tpu.memory_space<vmem>> -> memref<400xf32, #tpu.memory_space<vmem>>
        tpu.enqueue_dma source(%dma_start3A_142 : memref<400xf32, #tpu.memory_space<vmem>>) target(%dma_start3A_140 : memref<400xf32, #tpu.memory_space<hbm>>) target_semaphore(%run_scoped3A : memref<!tpu.dma_semaphore, #tpu.memory_space<semaphore_mem>>)
        %dma_wait3A_143 = arith.constant 0 : i32
        %dma_wait3A_144 = tpu.memref_slice %arg13[%dma_wait3A_143] : memref<640xf32, #tpu.memory_space<vmem>> -> memref<400xf32, #tpu.memory_space<vmem>>
        %dma_wait3A_145 = tpu.memref_slice %arg5[%mul3A_0] : memref<10000xf32, #tpu.memory_space<hbm>> -> memref<400xf32, #tpu.memory_space<hbm>>
        %dma_wait3A_146 = tpu.memref_slice %arg5[%mul3A_0] : memref<10000xf32, #tpu.memory_space<hbm>> -> memref<400xf32, #tpu.memory_space<hbm>>
        %dma_wait3A_147 = arith.constant 0 : i32
        %dma_wait3A_148 = tpu.memref_slice %arg13[%dma_wait3A_147] : memref<640xf32, #tpu.memory_space<vmem>> -> memref<400xf32, #tpu.memory_space<vmem>>
        tpu.wait_dma2 semaphore(%run_scoped3A : memref<!tpu.dma_semaphore, #tpu.memory_space<semaphore_mem>>) src(%dma_wait3A_148 : memref<400xf32, #tpu.memory_space<vmem>>) dst(%dma_wait3A_146 : memref<400xf32, #tpu.memory_space<hbm>>)
        tpu.yield
      }) : () -> ()
    } else {
    }
    return
  }
}

module attributes {stable_mosaic.version = 14 : i64} {
  func.func @_mm_body(%arg0: i32, %arg1: memref<1024x128xf32, #tpu.memory_space<vmem>>, %arg2: memref<128x1xf32, #tpu.memory_space<vmem>>, %arg3: memref<1xf32, #tpu.memory_space<vmem>>, %arg4: memref<1024xf32, #tpu.memory_space<vmem>>, %arg5: memref<16xf32, #tpu.memory_space<vmem>>) attributes {dimension_semantics = [#tpu.dimension_semantics<arbitrary>], iteration_bounds = array<i64: 10>, scalar_prefetch = 0 : i64, scratch_operands = 0 : i64, tpu.core_type = #tpu.core_type<tc>, window_params = [{transform_indices = @transform_0, window_bounds = array<i64: 1024, 128>}, {pipeline_mode = #tpu.pipeline_mode<synchronous>, transform_indices = @transform_1, window_bounds = array<i64: 128, 1>}, {pipeline_mode = #tpu.pipeline_mode<synchronous>, transform_indices = @transform_2, window_bounds = array<i64: 1>}, {transform_indices = @transform_3, window_bounds = array<i64: 1024>}, {pipeline_mode = #tpu.pipeline_mode<synchronous>, transform_indices = @transform_4, window_bounds = array<i64: 16>}]} {
    %get3A = arith.constant 0 : index
    %get3A_0 = arith.constant 0 : index
    %get3A_1 = vector.load %arg2[%get3A, %get3A_0] : memref<128x1xf32, #tpu.memory_space<vmem>>, vector<128x1xf32>
    %reshape3A = vector.shape_cast %get3A_1 : vector<128x1xf32> to vector<1x128xf32>
    %get3A_2 = arith.constant 0 : index
    %get3A_3 = arith.constant 0 : index
    %get3A_4 = vector.load %arg1[%get3A_2, %get3A_3] : memref<1024x128xf32, #tpu.memory_space<vmem>>, vector<1024x128xf32>
    %mul3A = vector.broadcast %reshape3A : vector<1x128xf32> to vector<1024x128xf32>
    %mul3A_5 = arith.mulf %get3A_4, %mul3A : vector<1024x128xf32>
    %reduce_sum3A = arith.constant dense<0.000000e+00> : vector<1024xf32>
    %reduce_sum3A_6 = vector.multi_reduction <add>, %mul3A_5, %reduce_sum3A [1] : vector<1024x128xf32> to vector<1024xf32>
    %swap3A = arith.constant 0 : index
    %swap3A_7 = vector.load %arg4[%swap3A] : memref<1024xf32, #tpu.memory_space<vmem>>, vector<1024xf32>
    tpu.vector_store %arg4[%swap3A], %reduce_sum3A_6 {strides = array<i32>} : memref<1024xf32, #tpu.memory_space<vmem>>, vector<1024xf32>,
    %get3A_8 = arith.constant 0 : index
    %get3A_9 = vector.load %arg3[%get3A_8] : memref<1xf32, #tpu.memory_space<vmem>>, vector<1xf32>
    %broadcast_in_dim3A = vector.shape_cast %get3A_9 : vector<1xf32> to vector<1xf32>
    %broadcast_in_dim3A_10 = vector.broadcast %broadcast_in_dim3A : vector<1xf32> to vector<16xf32>
    %swap3A_11 = arith.constant 0 : index
    %swap3A_12 = vector.load %arg5[%swap3A_11] : memref<16xf32, #tpu.memory_space<vmem>>, vector<16xf32>
    tpu.vector_store %arg5[%swap3A_11], %broadcast_in_dim3A_10 {strides = array<i32>} : memref<16xf32, #tpu.memory_space<vmem>>, vector<16xf32>,
    return
  }
  func.func @transform_0(%arg0: i32) -> (i32, i32) {
    %c0_i32 = arith.constant 0 : i32
    %c0_i32_0 = arith.constant 0 : i32
    return %arg0, %c0_i32 : i32, i32
  }
  func.func @transform_1(%arg0: i32) -> (i32, i32) {
    %c0_i32 = arith.constant 0 : i32
    %c0_i32_0 = arith.constant 0 : i32
    %c0_i32_1 = arith.constant 0 : i32
    return %c0_i32, %c0_i32_0 : i32, i32
  }
  func.func @transform_2(%arg0: i32) -> i32 {
    %c0_i32 = arith.constant 0 : i32
    %c0_i32_0 = arith.constant 0 : i32
    return %c0_i32 : i32
  }
  func.func @transform_3(%arg0: i32) -> i32 {
    %c0_i32 = arith.constant 0 : i32
    return %arg0 : i32
  }
  func.func @transform_4(%arg0: i32) -> i32 {
    %c0_i32 = arith.constant 0 : i32
    %c0_i32_0 = arith.constant 0 : i32
    return %c0_i32 : i32
  }
}

</mosaic_0001>

<sc_bundles>
// kernel: kernel.4.cloned.1.call-start
scs
__scs_entry_jumppad:
0x0: {  	(pc) =	sbr.rel $0x88, $3  }
0x1: {  	(tag) =	ssettag $0x0;
	lr =	simm.s32 $0x1  }
0x2: {  	[smem:$0x3F9D] =	sst lr;
	_ =	strace $0xD0000000  }
0x3: {  	_ = 	snop  }
0x4: {  	_ = 	snop  }
0x5: {  	_ = 	snop  }
0x6: {  	_ = 	snop  }
0x7: {  	_ = 	snop  }
__scs_overlays_trampoline_lowered:
0x8: {  	[smem:$0x3FAC] =	sst s0  }
0x9: {  	[smem:$0x3FAD] =	sst s1  }
0xa: {  	[smem:$0x3FAE] =	sst s2  }
0xb: {  	[smem:$0x3FAF] =	sst s3  }
0xc: {  	[smem:$0x3FB0] =	sst s4  }
0xd: {  	[smem:$0x3FB1] =	sst s5  }
0xe: {  	[smem:$0x3FB2] =	sst s6  }
0xf: {  	[smem:$0x3FB3] =	sst s7  }
0x10: {  	[smem:$0x3FB4] =	sst s8  }
0x11: {  	[smem:$0x3FB5] =	sst s9;
	s0 =	simm.s32 @!p0 $0x0  }
0x12: {  	s1 =	sld [smem:$0x3F9B];
	s0 =	simm.s32 @p0 $0x1  }
0x13: {  	[smem:$0x3FB6] =	sst s0;
	s0 =	simm.s32 @!p1 $0x0  }
0x14: {  	s2 =	sld [smem:$0x3F9A];
	s0 =	simm.s32 @p1 $0x1  }
0x15: {  	[smem:$0x3FB7] =	sst s0;
	s0 =	simm.s32 @!p2 $0x0  }
0x16: {  	s3 =	sld [smem:$0x3FDB];
	s0 =	simm.s32 @p2 $0x1  }
0x17: {  	s4 =	simm.s32 $0x1BF5;
	[smem:$0x3FB9] =	sst s0  }
0x18: {  	s0 =	sld [smem:$0x3F9C];
	_ =	swait.ge [sflag:s4], $0x0  }
0x19: {  	s7 =	sld [smem:$0x3F9D]  }
0x1a: {  	s8 =	sadd.s32 $0xFFFFE003, lr  }
0x1b: {  	s9 =	sadd.s32 $0xFFFFFEF7, lr;
	s5 =	simm.s32 $0xFFFFFFFF;
	p2 =	slt.u32 s8, $0xFFFFF086  }
0x1c: {  	p1 =	slt.u32 s9, $0xF7A;
	s5 =	simm.s32 @!p2 $0x0  }
0x1d: {  	s5 =	simm.s32 @p1 $0x1;
	p0 =	seq.s32 s7, s2  }
0x1e: {  	s7 =	smul.u32 @!p0 $0xF7A, s2;
	p2 =	seq.s32 @!p0 s5, $0x0  }
0x1f: {  	s9 =	smul.u32 $0xF7A, s1;
	s8 =	simm.s32 @!p0 $0x1BF5;
	p2 =	por !p2, p0  }
0x20: {  	[sflag:s8] =	ssyncset.s32 @!p0 $0xFFFFF086;
	s6 =	sadd.s32 @!p0 s3, s7;
	s7 =	simm.s32 @!p0 $0x108  }
0x21: {  	s3 =	sadd.s32 s3, s9;
	s6 =	sadd.s32 @!p0 $0x88, s6;
	s7 =	simm.s32 @p2 $0x1082  }
0x22: {  	[simem:s7], [sflag:s8] =	dma.local @!p0 [hbm:s6], $0xF7A  }
0x23: {  	s9 =	sor.u32 $0xD0000000, s2;
	s6 =	simm.s32 $0x108;
	_ =	swait.ge @!p0 [sflag:s8], $0x0  }
0x24: {  	s3 =	sadd.s32 $0x88, s3;
	s6 =	simm.s32 @!p1 $0x1082;
	[sflag:s4] =	ssyncset.s32 $0xFFFFF086  }
0x25: {  	[simem:s6], [sflag:s4] =	dma.local [hbm:s3], $0xF7A  }
0x26: {  	[smem:$0x3F9D] =	sst s1;
	(tag) =	ssettag s2;
	_ =	strace s9  }
0x27: {  	s1 =	sld [smem:$0x3FAD]  }
0x28: {  	s2 =	sld [smem:$0x3FAE]  }
0x29: {  	s4 =	sld [smem:$0x3FB0]  }
0x2a: {  	p0 =	seq.s32 s5, $0x0;
	s5 =	sld [smem:$0x3FB1]  }
0x2b: {  	s6 =	sld [smem:$0x3FB2]  }
0x2c: {  	s7 =	sld [smem:$0x3FB3]  }
0x2d: {  	s3 =	simm.s32 $0x108;
	s8 =	sld [smem:$0x3FB4]  }
0x2e: {  	s3 =	simm.s32 @!p0 $0x1082;
	s9 =	sld [smem:$0x3FB5]  }
0x2f: {  	lr =	sadd.s32 s0, s3;
	s0 =	sld [smem:$0x3FAC]  }
0x30: {  	s3 =	sld [smem:$0x3FAF]  }
0x31: {  	[smem:$0x3FB8] =	sst s10  }
0x32: {  	s10 =	sld [smem:$0x3FB6];
	_ =	sdelay $0x3  }
0x33: {  	p0 =	seq.s32 s10, $0x1;
	s10 =	sld [smem:$0x3FB8];
	_ =	sdelay $0x3  }
0x34: {  	[smem:$0x3FB8] =	sst s10  }
0x35: {  	s10 =	sld [smem:$0x3FB7];
	_ =	sdelay $0x3  }
0x36: {  	p1 =	seq.s32 s10, $0x1;
	s10 =	sld [smem:$0x3FB8];
	_ =	sdelay $0x3  }
0x37: {  	[smem:$0x3FB8] =	sst s10  }
0x38: {  	s10 =	sld [smem:$0x3FB9]  }
0x39: {  	_ = 	snop;
	(pc) =	sbr.ind lr, $3  }
0x3a: {  	_ = 	snop  }
0x3b: {  	_ = 	snop  }
0x3c: {  	p2 =	seq.s32 s10, $0x1;
	s10 =	sld [smem:$0x3FB8]  }
0x3d: {  	_ =	shalt  }
0x3e: {  	_ =	shalt  }
0x3f: {  	_ =	shalt  }
0x40: {  	_ =	shalt  }
0x41: {  	_ =	shalt  }
0x42: {  	_ =	shalt  }
0x43: {  	_ =	shalt  }
0x44: {  	_ =	shalt  }
0x45: {  	_ =	shalt  }
0x46: {  	_ =	shalt  }
0x47: {  	_ =	shalt  }
0x48: {  	_ =	shalt  }
0x49: {  	_ =	shalt  }
0x4a: {  	_ =	shalt  }
0x4b: {  	_ =	shalt  }
0x4c: {  	_ =	shalt  }
0x4d: {  	_ =	shalt  }
0x4e: {  	_ =	shalt  }
0x4f: {  	_ =	shalt  }
0x50: {  	_ =	shalt  }
0x51: {  	_ =	shalt  }
0x52: {  	_ =	shalt  }
0x53: {  	_ =	shalt  }
0x54: {  	_ =	shalt  }
0x55: {  	_ =	shalt  }
0x56: {  	_ =	shalt  }
0x57: {  	_ =	shalt  }
0x58: {  	_ =	shalt  }
0x59: {  	_ =	shalt  }
0x5a: {  	_ =	shalt  }
0x5b: {  	_ =	shalt  }
0x5c: {  	_ =	shalt  }
0x5d: {  	_ =	shalt  }
0x5e: {  	_ =	shalt  }
0x5f: {  	_ =	shalt  }
0x60: {  	_ =	shalt  }
0x61: {  	_ =	shalt  }
0x62: {  	_ =	shalt  }
0x63: {  	_ =	shalt  }
0x64: {  	_ =	shalt  }
0x65: {  	_ =	shalt  }
0x66: {  	_ =	shalt  }
0x67: {  	_ =	shalt  }
0x68: {  	_ =	shalt  }
0x69: {  	_ =	shalt  }
0x6a: {  	_ =	shalt  }
0x6b: {  	_ =	shalt  }
0x6c: {  	_ =	shalt  }
0x6d: {  	_ =	shalt  }
0x6e: {  	_ =	shalt  }
0x6f: {  	_ =	shalt  }
0x70: {  	_ =	shalt  }
0x71: {  	_ =	shalt  }
0x72: {  	_ =	shalt  }
0x73: {  	_ =	shalt  }
0x74: {  	_ =	shalt  }
0x75: {  	_ =	shalt  }
0x76: {  	_ =	shalt  }
0x77: {  	_ =	shalt  }
0x78: {  	_ =	shalt  }
0x79: {  	_ =	shalt  }
0x7a: {  	_ =	shalt  }
0x7b: {  	_ =	shalt  }
0x7c: {  	_ =	shalt  }
0x7d: {  	_ =	shalt  }
0x7e: {  	_ =	shalt  }
0x7f: {  	_ =	shalt  }
0x80: {  	_ =	shalt  }
0x81: {  	_ =	shalt  }
0x82: {  	_ =	shalt  }
0x83: {  	_ =	shalt  }
0x84: {  	_ =	shalt  }
0x85: {  	_ =	shalt  }
0x86: {  	_ =	shalt  }
0x87: {  	_ =	shalt  }
.Lfunc_end0:
.L_simem_size_0:
called_computation_lowered:
.L_overlay_start_0:
0x88: {  	s0 =	sld [smem:$0x3FD9]  }
0x89: {  	s1 =	sld [smem:$0x3FFE];
	_ =	sdelay $0x3  }
0x8a: {  	s0 =	sadd.s32 s1, s0  }
0x8b: {  	[smem:$0x3FC4] =	sst s0  }
0x8c: {  	_ = 	snop  }
0x8d: {  	s0 =	sld [smem:$0x3FC8]  }
0x8e: {  	s16 =	sld [smem:$0x3FD0];
	(tm) =	ssettm $0x1  }
0x8f: {  	s2 =	sld [smem:$0x3FFB];
	_ =	sdelay $0x3  }
0x90: {  	_ =	strace s2  }
0x91: {  	s2 =	sld [smem:$0x3FFC];
	_ =	sdelay $0x3  }
0x92: {  	_ =	strace s2  }
0x93: {  	s2 =	sld [smem:$0x3FFD];
	_ =	sdelay $0x3  }
0x94: {  	_ =	strace s2  }
0x95: {  	_ =	strace $0x8FFFFFFF  }
0x96: {  	s17 =	sld [smem:$0x3FDB];
	_ =	sdelay $0x1  }
0x97: {  	s3 =	simm.s32 $_scs_section_size  }
0x98: {  	s4 =	simm.s32 $_size__tile_overlayer_lowered;
	s5 =	simm.s32 $_tile_overlayer_lowered  }
0x99: {  	s20 =	simm.s32 $0x1BFF;
	s19 =	sshll.u32 s5, $0x1;
	s2 =	sadd.s32 s3, s17  }
0x9a: {  	s6 =	simm.s32 $0x0;
	s18 =	sshll.u32 s4, $0x1;
	s4 =	sadd.s32 s19, s2  }
0x9b: {  	[timem:s6], [sflag:s20] =	dma.local [hbm:s4], s18  }
0x9c: {  	_ =	swait.ge [sflag:s20], s18  }
0x9d: {  	s3 =	ssub.s32 $0x0, s18;
	[sflag:s20] =	ssyncset.done $0x0  }
0x9e: {  	[sflag:s20] =	ssyncadd.s32 s3;
	_ =	sdelay $0x1  }
0x9f: {  	s21 =	simm.s32 $0x1B8B  }
0xa0: {  	_ =	swait.ge [sflag:s21], $0x1  }
0xa1: {  	[sflag:s21] =	ssyncset.done $0x0  }
0xa2: {  	s23 =	simm.s32 $0x1B8E;
	s22 =	sld [smem:$0x3FFE];
	[sflag:s21] =	ssyncadd.s32 $0xFFFFFFFF  }
0xa3: {  	s24 =	simm.s32 $execute0_lowered;
	[smem:$0x3FD2] =	sst s23  }
0xa4: {  	s4 =	sshll.u32 s24, $0x1;
	_ =	strace $0x80000046;
	[dreg:$0x1] =	wrdreg $0xFFFFFFFF  }
0xa5: {  	s25 =	simm.s32 $_size_execute0_lowered;
	s2 =	sadd.s32 s2, s4;
	[dreg:$0x0] =	wrdreg $0x0  }
0xa6: {  	s4 =	sshll.u32 s25, $0x1;
	[dreg:$0x2] =	wrdreg s2  }
0xa7: {  	[dreg:$0x3] =	wrdreg s4  }
0xa8: {  	[dreg:$0x4] =	wrdreg $0xC0  }
0xa9: {  	_ =	task [dreg:s6], $0x5FFFF  }
0xaa: {  	[dreg:$0x1] =	wrdreg $0xFFFFFFFF  }
0xab: {  	[dreg:$0x0] =	wrdreg $0x60  }
0xac: {  	[dreg:$0x2] =	wrdreg s0  }
0xad: {  	[dreg:$0x3] =	wrdreg s22  }
0xae: {  	[dreg:$0x4] =	wrdreg s16  }
0xaf: {  	[dreg:$0x5] =	wrdreg $0x148000  }
0xb0: {  	[dreg:$0x6] =	wrdreg $0x170000  }
0xb1: {  	[dreg:$0x7] =	wrdreg $0x9  }
0xb2: {  	_ =	task.clear_ibuf [dreg:s6], $0x8FFFF;
	_ =	strace $0x90000046  }
0xb3: {  	s26 =	simm.s32 $0x9;
	_ =	strace $0x80000048  }
0xb4: {  	_ =	swait.ge [sflag:s26], $0x1  }
0xb5: {  	[sflag:s26] =	ssyncadd.s32 $0xFFFFFFFF  }
0xb6: {  	_ =	strace $0x90000048  }
0xb7: {  	_ =	sfence  }
0xb8: {  	s28 =	sld [smem:$0x0];
	_ =	sdelay $0x1  }
0xb9: {  	s29 =	srdreg.scid  }
0xba: {  	s30 =	sshll.u32 s29, $0xD;
	s31 =	sshrl.u32 s29, $0x2  }
0xbb: {  	s1 =	sand.u32 $0x1, s29;
	s2 =	sand.u32 $0x4000, s30;
	s0 =	sadd.s32 s31, s28  }
0xbc: {  	s1 =	sor.u32 s2, s1;
	s0 =	sshll.u32 s0, $0x11  }
0xbd: {  	s0 =	sor.u32 s0, s1  }
0xbe: {  	s0 =	sadd.s32 $0x8F2B, s0  }
0xbf: {  	[sflag:s0] =	ssyncadd.remote.s32 $0x1  }
0xc0: {  	_ =	sfence.sel $0xFFFF  }
0xc1: {  	[dreg:$0x0] =	wrdreg $0xFFFFFFFF;
	(pc) =	sbr.abs _section_cstart, $3  }
0xc2: {  	[dreg:$0x1] =	wrdreg $0xFFFFFFFF  }
0xc3: {  	_ =	task.clear_ibuf [dreg:s6], $0x2FFFF;
	_ =	strace $0x9FFFFFFF  }
0xc4: {  	(tm) =	ssettm $0x7FFFFFFF  }
0xc5: {  	_ =	shalt  }
tec
execute0_lowered:
.L_overlay_start_1:
0x0: {  	(tag) =	ssettag $0x1  }
0x1: {  	s1 =	rddreg [dreg:$0x0]  }
0x2: {  	s0 =	rddreg [dreg:$0x1]  }
0x3: {  	s2 =	rddreg [dreg:$0x2];
	s8 =	stileid.u32  }
0x4: {  	s3 =	rddreg [dreg:$0x3];
	s4 =	smul.u32 $0x9C00, s8  }
0x5: {  	s9 =	rddreg [dreg:$0x4];
	s5 =	simm.s32 $0x0;
	s6 =	smul.u32 $0x1380, s8  }
0x6: {  	[smem:$0x7FF] =	sst s5;
	s4 =	sshrl.u32 s4, $0x3  }
0x7: {  	_ =	strace $0x80000047;
	s6 =	sadd.s32 s1, s6;
	s4 =	sadd.s32 s1, s4  }
0x8: {  	[tilespmem:s5], [sflag:$0x1] =	stream.linear.gather [hbm4b:s6+s5], $0x2700, $0x38;
	[tilespmem:$0x17280] =	vst v63  }
0x9: {  	s7 =	simm.s32 $0x2700;
	s15 =	sadd.s32 $0x4E0, s4  }
0xa: {  	[tilespmem:s7], [sflag:$0x1] =	stream.linear.gather [hbm4b:s15+s5], $0x2700, $0x38;
	[tilespmem:$0x17280] =	vst v63  }
0xb: {  	s17 =	simm.s32 $0x4E00;
	s16 =	sadd.s32 $0x9C0, s4  }
0xc: {  	[tilespmem:s17], [sflag:$0x1] =	stream.linear.gather [hbm4b:s16+s5], $0x2700, $0x38;
	[tilespmem:$0x17280] =	vst v63  }
0xd: {  	s18 =	simm.s32 $0x7500;
	p1 =	sne.s32 s8, $0xF;
	s4 =	sadd.s32 $0xEA0, s4  }
0xe: {  	[tilespmem:s18], [sflag:$0x1] =	stream.linear.gather [hbm4b:s4+s5], $0x2700, $0x38;
	[tilespmem:$0x17280] =	vst v63  }
0xf: {  	s1 =	sadd.s32 @!p1 $0x13800, s1;
	s6 =	simm.s32 @!p1 $0x9C00;
	s4 =	simm.s32 @!p1 $0x0  }
0x10: {  	[tilespmem:s6], [sflag:$0x2] =	stream.linear.gather @!p1 [hbm4b:s1+s4], $0x400, $0x38;
	[tilespmem:$0x17280] =	vst v63  }
0x11: {  	s20 =	simm.s32 $0xF000;
	s19 =	sadd.s32 $0xC00, s0  }
0x12: {  	[tilespmem:s20], [sflag:$0x3] =	stream.linear.gather [hbm4b:s19+s5], $0x2710, $0x38;
	[tilespmem:$0x17280] =	vst v63  }
0x13: {  	s21 =	simm.s32 $0x14780;
	s22 =	simm.s32 $0x4  }
0x14: {  	[tilespmem:s21], [sflag:$0x4] =	stream.linear.gather [hbm4b:s2+s5], $0x80, $0x38;
	[tilespmem:$0x17280] =	vst v63  }
0x15: {  	_ =	swait.ge [sflag:s22], $0x80  }
0x16: {  	[sflag:s22] =	ssyncset.done $0x0  }
0x17: {  	s23 =	simm.s32 $0xA020;
	v0 =	vimm.f32 $0.0e+00;
	[sflag:s22] =	ssyncadd.s32 $0xFFFFFF80  }
0x18: {  	[tilespmem:s23+$0xFFFFFFF0] =	vst v0  }
0x19: {  	s14 =	smul.u32 $0x280, s8;
	[tilespmem:s23+$0x0] =	vst v0  }
0x1a: {  	s24 =	sshrl.u32 s8, $0x3;
	p0 =	seq.s32 s8, $0xF;
	s1 =	simm.s32 $0xC820;
	[tilespmem:s23+$0x10] =	vst v0  }
0x1b: {  	s26 =	sshll.u32 s8, $0x7;
	s28 =	smul.u32 $0x5000, s8;
	s8 =	simm.s32 $0x5000;
	[tilespmem:s1+$0xFFFFFFF0] =	vst v0  }
0x1c: {  	s8 =	simm.s32 @!p0 $0x4E00;
	[tilespmem:s1+$0x0] =	vst v0  }
0x1d: {  	s25 =	sshrl.u32 s14, $0x3;
	[dreg:$0x15] =	wrdreg s8  }
0x1e: {  	s30 =	sadd.s32 s14, s9;
	s5 =	sadd.s32 s25, s0;
	[tilespmem:s1+$0x10] =	vst v0  }
0x1f: {  	s4 =	smul.u32 $0x50000, s24;
	s31 =	sadd.s32 $0x1200, s5;
	[dreg:$0x16] =	wrdreg s30  }
0x20: {  	s29 =	sshrl.u32 s28, $0x2;
	[dreg:$0x11] =	wrdreg s31  }
0x21: {  	s7 =	sadd.s32 s29, s3;
	s4 =	sshrl.u32 s4, $0x2;
	s0 =	sadd.s32 $0x16B0, s0;
	[tilespmem:s23+$0xFFFFFFE0] =	vst v0  }
0x22: {  	s6 =	sand.u32 $0x380, s26;
	s4 =	sadd.s32 s4, s3;
	[dreg:$0x12] =	wrdreg s0  }
0x23: {  	s2 =	simm.s32 $0xA060;
	s8 =	sadd.s32 s6, s4;
	s0 =	simm.s32 $0x0;
	[tilespmem:s1+$0xFFFFFFE0] =	vst v0  }
.LBB2_1:
0x24: {  	[tilespmem:s2+$0xFFFFFFF0] =	vst v0;
	s1 =	sadd.s32 $0x40, s1  }
0x25: {  	s0 =	sadd.s32 $0x40, s0;
	[tilespmem:s1+$0xFFFFFFF0] =	vst v0  }
0x26: {  	p2 =	slt.u32 s0, $0x27C0;
	[tilespmem:s2+$0x0] =	vst v0  }
.Ltmp0:
0x27: {  	[tilespmem:s1+$0x0] =	vst v0;
	(pc) =	sbr.rel @p2 .LBB2_1-.Ltmp0, $4  }
0x28: {  	[tilespmem:s2+$0x10] =	vst v0  }
0x29: {  	[tilespmem:s1+$0x10] =	vst v0  }
0x2a: {  	[tilespmem:s2+$0xFFFFFFE0] =	vst v0  }
0x2b: {  	s2 =	sadd.s32 $0x40, s2;
	[tilespmem:s1+$0xFFFFFFE0] =	vst v0  }
0x2c: {  	p2 =	por $0x0, $0x0;
	s0 =	simm.s32 $0x1  }
0x2d: {  	s1 =	simm.s32 $0x1;
	s0 =	simm.s32 @!p2 $0x0  }
0x2e: {  	_ =	swait.ge [sflag:s1], $0x2700;
	s0 =	sshll.u32 s0, $0x6  }
0x2f: {  	[sflag:s1] =	ssyncset.done $0x0;
	s0 =	sadd.s32 $0x0, s0  }
0x30: {  	[sflag:s1] =	ssyncadd.s32 $0xFFFFD900;
	s2 =	sor.u32 $0xB0, s0  }
0x31: {  	v2 =	vld [tilespmem:s2+$0x0];
	_ =	sdelay $0x1  }
0x32: {  	p2 =	por !p2, !p2  }
0x33: {  	s1 =	simm.s32 @!p2 $0x0;
	s26 =	sor.u32 $0x80, s0  }
0x34: {  	s3 =	sor.u32 $0x90, s0;
	s1 =	sshll.u32 s1, $0x6;
	v7 =	vld [tilespmem:s26+$0x0]  }
0x35: {  	s28 =	sor.u32 $0xA0, s0;
	v1 =	vld [tilespmem:s3+$0x0];
	s1 =	sadd.s32 $0x80, s1  }
0x36: {  	v3 =	vld [tilespmem:s28+$0x0];
	s30 =	sor.u32 $0x80, s1  }
0x37: {  	v0 =	vimm.f32 $1.000000000e+00;
	s0 =	simm.s32 $0xA000;
	v5 =	vld [tilespmem:s30+$0x0]  }
0x38: {  	s29 =	sor.u32 $0xB0, s1;
	[tilespmem:v2+s0+$0x0] =	vst.idx.add.f32.msk $0xffff, v0  }
0x39: {  	s31 =	sor.u32 $0x90, s1;
	v2 =	vld [tilespmem:s29+$0x0]  }
0x3a: {  	s1 =	sor.u32 $0xA0, s1;
	v6 =	vld [tilespmem:s31+$0x0]  }
0x3b: {  	v4 =	vld [tilespmem:s1+$0x0]  }
0x3c: {  	p2 =	por !p2, !p2;
	s2 =	simm.s32 $0x80;
	s1 =	simm.s32 $0x40;
	[tilespmem:v7+s0+$0x0] =	vst.idx.add.f32.msk $0xffff, v0  }
.LBB2_3:
0x3d: {  	s3 =	simm.s32 $0x1  }
0x3e: {  	s1 =	sadd.s32 $0x40, s1;
	[tilespmem:v1+s0+$0x0] =	vst.idx.add.f32.msk $0xffff, v0;
	s3 =	simm.s32 @!p2 $0x0  }
0x3f: {  	s2 =	sadd.s32 $0x80, s2;
	p3 =	slt.u32 s1, $0x1340;
	v7 =	vmov v5;
	s3 =	sshll.u32 s3, $0x6;
	[tilespmem:v3+s0+$0x0] =	vst.idx.add.f32.msk $0xffff, v0  }
0x40: {  	v1 =	vmov v6;
	s3 =	sadd.s32 s3, s2  }
0x41: {  	v3 =	vmov v4;
	s4 =	sor.u32 $0x80, s3;
	s5 =	sor.u32 $0x90, s3;
	s6 =	sor.u32 $0xB0, s3;
	[tilespmem:v2+s0+$0x0] =	vst.idx.add.f32.msk $0xffff, v0  }
.Ltmp1:
0x42: {  	s3 =	sor.u32 $0xA0, s3;
	v2 =	vld [tilespmem:s6+$0x0];
	(pc) =	sbr.rel @p3 .LBB2_3-.Ltmp1, $4  }
0x43: {  	v5 =	vld [tilespmem:s4+$0x0]  }
0x44: {  	v6 =	vld [tilespmem:s5+$0x0]  }
0x45: {  	v4 =	vld [tilespmem:s3+$0x0]  }
0x46: {  	p2 =	por !p2, !p2;
	[tilespmem:v7+s0+$0x0] =	vst.idx.add.f32.msk $0xffff, v0  }
0x47: {  	_ =	sdelay $0x3  }
0x48: {  	[tilespmem:v1+s0+$0x0] =	vst.idx.add.f32.msk $0xffff, v0  }
0x49: {  	[tilespmem:v3+s0+$0x0] =	vst.idx.add.f32.msk $0xffff, v0  }
0x4a: {  	[tilespmem:v2+s0+$0x0] =	vst.idx.add.f32.msk $0xffff, v0  }
0x4b: {  	[tilespmem:v5+s0+$0x0] =	vst.idx.add.f32.msk $0xffff, v0  }
0x4c: {  	p2 =	por $0x0, $0x0;
	s1 =	simm.s32 $0x1;
	[tilespmem:v6+s0+$0x0] =	vst.idx.add.f32.msk $0xffff, v0  }
0x4d: {  	s1 =	simm.s32 @!p2 $0x0;
	[tilespmem:v4+s0+$0x0] =	vst.idx.add.f32.msk $0xffff, v0;
	s0 =	simm.s32 $0x1  }
0x4e: {  	s1 =	sshll.u32 s1, $0x6;
	_ =	swait.ge [sflag:s0], $0x2700  }
0x4f: {  	s1 =	sadd.s32 $0x2700, s1;
	[sflag:s0] =	ssyncset.done $0x0  }
0x50: {  	s2 =	sor.u32 $0xB0, s1;
	[sflag:s0] =	ssyncadd.s32 $0xFFFFD900  }
0x51: {  	v2 =	vld [tilespmem:s2+$0x0];
	_ =	sdelay $0x1  }
0x52: {  	p2 =	por !p2, !p2  }
0x53: {  	s26 =	sor.u32 $0x80, s1;
	s0 =	simm.s32 @!p2 $0x0  }
0x54: {  	s3 =	sor.u32 $0x90, s1;
	v7 =	vld [tilespmem:s26+$0x0];
	s28 =	sshll.u32 s0, $0x6  }
0x55: {  	s1 =	sor.u32 $0xA0, s1;
	v1 =	vld [tilespmem:s3+$0x0];
	s29 =	sadd.s32 $0x2780, s28  }
0x56: {  	v3 =	vld [tilespmem:s1+$0x0];
	s30 =	sor.u32 $0x80, s29  }
0x57: {  	v0 =	vimm.f32 $1.000000000e+00;
	s0 =	simm.s32 $0xA000;
	v5 =	vld [tilespmem:s30+$0x0]  }
0x58: {  	s2 =	sor.u32 $0xB0, s29;
	[tilespmem:v2+s0+$0x0] =	vst.idx.add.f32.msk $0xffff, v0  }
0x59: {  	s31 =	sor.u32 $0x90, s29;
	v2 =	vld [tilespmem:s2+$0x0]  }
0x5a: {  	s1 =	sor.u32 $0xA0, s29;
	v6 =	vld [tilespmem:s31+$0x0]  }
0x5b: {  	v4 =	vld [tilespmem:s1+$0x0]  }
0x5c: {  	p2 =	por !p2, !p2;
	s1 =	simm.s32 $0x13C0;
	s2 =	simm.s32 $0x2780;
	[tilespmem:v7+s0+$0x0] =	vst.idx.add.f32.msk $0xffff, v0  }
.LBB2_5:
0x5d: {  	s3 =	simm.s32 $0x1  }
0x5e: {  	s1 =	sadd.s32 $0x40, s1;
	[tilespmem:v1+s0+$0x0] =	vst.idx.add.f32.msk $0xffff, v0;
	s3 =	simm.s32 @!p2 $0x0  }
0x5f: {  	s2 =	sadd.s32 $0x80, s2;
	p3 =	slt.u32 s1, $0x26C0;
	v7 =	vmov v5;
	s3 =	sshll.u32 s3, $0x6;
	[tilespmem:v3+s0+$0x0] =	vst.idx.add.f32.msk $0xffff, v0  }
0x60: {  	v1 =	vmov v6;
	s3 =	sadd.s32 s3, s2  }
0x61: {  	v3 =	vmov v4;
	s4 =	sor.u32 $0x80, s3;
	s5 =	sor.u32 $0x90, s3;
	s6 =	sor.u32 $0xB0, s3;
	[tilespmem:v2+s0+$0x0] =	vst.idx.add.f32.msk $0xffff, v0  }
.Ltmp2:
0x62: {  	s3 =	sor.u32 $0xA0, s3;
	v2 =	vld [tilespmem:s6+$0x0];
	(pc) =	sbr.rel @p3 .LBB2_5-.Ltmp2, $4  }
0x63: {  	v5 =	vld [tilespmem:s4+$0x0]  }
0x64: {  	v6 =	vld [tilespmem:s5+$0x0]  }
0x65: {  	v4 =	vld [tilespmem:s3+$0x0]  }
0x66: {  	p2 =	por !p2, !p2;
	[tilespmem:v7+s0+$0x0] =	vst.idx.add.f32.msk $0xffff, v0  }
0x67: {  	_ =	sdelay $0x3  }
0x68: {  	[tilespmem:v1+s0+$0x0] =	vst.idx.add.f32.msk $0xffff, v0  }
0x69: {  	[tilespmem:v3+s0+$0x0] =	vst.idx.add.f32.msk $0xffff, v0  }
0x6a: {  	[tilespmem:v2+s0+$0x0] =	vst.idx.add.f32.msk $0xffff, v0  }
0x6b: {  	[tilespmem:v5+s0+$0x0] =	vst.idx.add.f32.msk $0xffff, v0  }
0x6c: {  	p2 =	por $0x0, $0x0;
	s1 =	simm.s32 $0x1;
	[tilespmem:v6+s0+$0x0] =	vst.idx.add.f32.msk $0xffff, v0  }
0x6d: {  	s1 =	simm.s32 @!p2 $0x0;
	[tilespmem:v4+s0+$0x0] =	vst.idx.add.f32.msk $0xffff, v0;
	s0 =	simm.s32 $0x1  }
0x6e: {  	s1 =	sshll.u32 s1, $0x6;
	_ =	swait.ge [sflag:s0], $0x2700  }
0x6f: {  	s1 =	sadd.s32 $0x4E00, s1;
	[sflag:s0] =	ssyncset.done $0x0  }
0x70: {  	s2 =	sor.u32 $0xB0, s1;
	[sflag:s0] =	ssyncadd.s32 $0xFFFFD900  }
0x71: {  	v2 =	vld [tilespmem:s2+$0x0];
	_ =	sdelay $0x1  }
0x72: {  	p2 =	por !p2, !p2  }
0x73: {  	s26 =	sor.u32 $0x80, s1;
	s0 =	simm.s32 @!p2 $0x0  }
0x74: {  	s3 =	sor.u32 $0x90, s1;
	v7 =	vld [tilespmem:s26+$0x0];
	s28 =	sshll.u32 s0, $0x6  }
0x75: {  	s1 =	sor.u32 $0xA0, s1;
	v1 =	vld [tilespmem:s3+$0x0];
	s29 =	sadd.s32 $0x4E80, s28  }
0x76: {  	v3 =	vld [tilespmem:s1+$0x0];
	s30 =	sor.u32 $0x80, s29  }
0x77: {  	v0 =	vimm.f32 $1.000000000e+00;
	s0 =	simm.s32 $0xA000;
	v5 =	vld [tilespmem:s30+$0x0]  }
0x78: {  	s2 =	sor.u32 $0xB0, s29;
	[tilespmem:v2+s0+$0x0] =	vst.idx.add.f32.msk $0xffff, v0  }
0x79: {  	s31 =	sor.u32 $0x90, s29;
	v2 =	vld [tilespmem:s2+$0x0]  }
0x7a: {  	s1 =	sor.u32 $0xA0, s29;
	v6 =	vld [tilespmem:s31+$0x0]  }
0x7b: {  	v4 =	vld [tilespmem:s1+$0x0]  }
0x7c: {  	p2 =	por !p2, !p2;
	s1 =	simm.s32 $0x2740;
	s2 =	simm.s32 $0x4E80;
	[tilespmem:v7+s0+$0x0] =	vst.idx.add.f32.msk $0xffff, v0  }
.LBB2_7:
0x7d: {  	s3 =	simm.s32 $0x1  }
0x7e: {  	s1 =	sadd.s32 $0x40, s1;
	[tilespmem:v1+s0+$0x0] =	vst.idx.add.f32.msk $0xffff, v0;
	s3 =	simm.s32 @!p2 $0x0  }
0x7f: {  	s2 =	sadd.s32 $0x80, s2;
	p3 =	slt.u32 s1, $0x3A40;
	v7 =	vmov v5;
	s3 =	sshll.u32 s3, $0x6;
	[tilespmem:v3+s0+$0x0] =	vst.idx.add.f32.msk $0xffff, v0  }
0x80: {  	v1 =	vmov v6;
	s3 =	sadd.s32 s3, s2  }
0x81: {  	v3 =	vmov v4;
	s4 =	sor.u32 $0x80, s3;
	s5 =	sor.u32 $0x90, s3;
	s6 =	sor.u32 $0xB0, s3;
	[tilespmem:v2+s0+$0x0] =	vst.idx.add.f32.msk $0xffff, v0  }
.Ltmp3:
0x82: {  	s3 =	sor.u32 $0xA0, s3;
	v2 =	vld [tilespmem:s6+$0x0];
	(pc) =	sbr.rel @p3 .LBB2_7-.Ltmp3, $4  }
0x83: {  	v5 =	vld [tilespmem:s4+$0x0]  }
0x84: {  	v6 =	vld [tilespmem:s5+$0x0]  }
0x85: {  	v4 =	vld [tilespmem:s3+$0x0]  }
0x86: {  	p2 =	por !p2, !p2;
	[tilespmem:v7+s0+$0x0] =	vst.idx.add.f32.msk $0xffff, v0  }
0x87: {  	_ =	sdelay $0x3  }
0x88: {  	[tilespmem:v1+s0+$0x0] =	vst.idx.add.f32.msk $0xffff, v0  }
0x89: {  	[tilespmem:v3+s0+$0x0] =	vst.idx.add.f32.msk $0xffff, v0  }
0x8a: {  	[tilespmem:v2+s0+$0x0] =	vst.idx.add.f32.msk $0xffff, v0  }
0x8b: {  	[tilespmem:v5+s0+$0x0] =	vst.idx.add.f32.msk $0xffff, v0  }
0x8c: {  	p2 =	por $0x0, $0x0;
	s1 =	simm.s32 $0x1;
	[tilespmem:v6+s0+$0x0] =	vst.idx.add.f32.msk $0xffff, v0  }
0x8d: {  	s1 =	simm.s32 @!p2 $0x0;
	[tilespmem:v4+s0+$0x0] =	vst.idx.add.f32.msk $0xffff, v0;
	s0 =	simm.s32 $0x1  }
0x8e: {  	s1 =	sshll.u32 s1, $0x6;
	_ =	swait.ge [sflag:s0], $0x2700  }
0x8f: {  	s1 =	sadd.s32 $0x7500, s1;
	[sflag:s0] =	ssyncset.done $0x0  }
0x90: {  	s2 =	sor.u32 $0xB0, s1;
	[sflag:s0] =	ssyncadd.s32 $0xFFFFD900  }
0x91: {  	v2 =	vld [tilespmem:s2+$0x0];
	_ =	sdelay $0x1  }
0x92: {  	p2 =	por !p2, !p2  }
0x93: {  	s26 =	sor.u32 $0x80, s1;
	s0 =	simm.s32 @!p2 $0x0  }
0x94: {  	s3 =	sor.u32 $0x90, s1;
	v7 =	vld [tilespmem:s26+$0x0];
	s28 =	sshll.u32 s0, $0x6  }
0x95: {  	s1 =	sor.u32 $0xA0, s1;
	v1 =	vld [tilespmem:s3+$0x0];
	s29 =	sadd.s32 $0x7580, s28  }
0x96: {  	v3 =	vld [tilespmem:s1+$0x0];
	s30 =	sor.u32 $0x80, s29  }
0x97: {  	v0 =	vimm.f32 $1.000000000e+00;
	s0 =	simm.s32 $0xA000;
	v5 =	vld [tilespmem:s30+$0x0]  }
0x98: {  	s2 =	sor.u32 $0xB0, s29;
	[tilespmem:v2+s0+$0x0] =	vst.idx.add.f32.msk $0xffff, v0  }
0x99: {  	s31 =	sor.u32 $0x90, s29;
	v2 =	vld [tilespmem:s2+$0x0]  }
0x9a: {  	s1 =	sor.u32 $0xA0, s29;
	v6 =	vld [tilespmem:s31+$0x0]  }
0x9b: {  	v4 =	vld [tilespmem:s1+$0x0]  }
0x9c: {  	p2 =	por !p2, !p2;
	s1 =	simm.s32 $0x3AC0;
	s2 =	simm.s32 $0x7580;
	[tilespmem:v7+s0+$0x0] =	vst.idx.add.f32.msk $0xffff, v0  }
.LBB2_9:
0x9d: {  	s3 =	simm.s32 $0x1  }
0x9e: {  	s1 =	sadd.s32 $0x40, s1;
	[tilespmem:v1+s0+$0x0] =	vst.idx.add.f32.msk $0xffff, v0;
	s3 =	simm.s32 @!p2 $0x0  }
0x9f: {  	s2 =	sadd.s32 $0x80, s2;
	p3 =	slt.u32 s1, $0x4DC0;
	v7 =	vmov v5;
	s3 =	sshll.u32 s3, $0x6;
	[tilespmem:v3+s0+$0x0] =	vst.idx.add.f32.msk $0xffff, v0  }
0xa0: {  	v1 =	vmov v6;
	s3 =	sadd.s32 s3, s2  }
0xa1: {  	v3 =	vmov v4;
	s4 =	sor.u32 $0x80, s3;
	s5 =	sor.u32 $0x90, s3;
	s6 =	sor.u32 $0xB0, s3;
	[tilespmem:v2+s0+$0x0] =	vst.idx.add.f32.msk $0xffff, v0  }
.Ltmp4:
0xa2: {  	s3 =	sor.u32 $0xA0, s3;
	v2 =	vld [tilespmem:s6+$0x0];
	(pc) =	sbr.rel @p3 .LBB2_9-.Ltmp4, $4  }
0xa3: {  	v5 =	vld [tilespmem:s4+$0x0]  }
0xa4: {  	v6 =	vld [tilespmem:s5+$0x0]  }
0xa5: {  	v4 =	vld [tilespmem:s3+$0x0]  }
0xa6: {  	p2 =	por !p2, !p2;
	[tilespmem:v7+s0+$0x0] =	vst.idx.add.f32.msk $0xffff, v0  }
0xa7: {  	_ =	sdelay $0x3  }
0xa8: {  	[tilespmem:v1+s0+$0x0] =	vst.idx.add.f32.msk $0xffff, v0  }
.Ltmp5:
0xa9: {  	[tilespmem:v3+s0+$0x0] =	vst.idx.add.f32.msk $0xffff, v0;
	(pc) =	sbr.rel @p1 .LBB2_14-.Ltmp5, $4  }
0xaa: {  	[tilespmem:v2+s0+$0x0] =	vst.idx.add.f32.msk $0xffff, v0  }
0xab: {  	[tilespmem:v5+s0+$0x0] =	vst.idx.add.f32.msk $0xffff, v0  }
0xac: {  	[tilespmem:v6+s0+$0x0] =	vst.idx.add.f32.msk $0xffff, v0  }
0xad: {  	[tilespmem:v4+s0+$0x0] =	vst.idx.add.f32.msk $0xffff, v0  }
0xae: {  	p1 =	por $0x0, $0x0;
	s0 =	simm.s32 $0x1  }
0xaf: {  	s1 =	simm.s32 $0x2;
	s0 =	simm.s32 @!p1 $0x0  }
0xb0: {  	_ =	swait.ge [sflag:s1], $0x400;
	s0 =	sshll.u32 s0, $0x6  }
0xb1: {  	[sflag:s1] =	ssyncset.done $0x0;
	s0 =	sadd.s32 $0x9C00, s0  }
0xb2: {  	[sflag:s1] =	ssyncadd.s32 $0xFFFFFC00;
	s26 =	sor.u32 $0xB0, s0  }
0xb3: {  	v2 =	vld [tilespmem:s26+$0x0];
	_ =	sdelay $0x1  }
0xb4: {  	p1 =	por !p1, !p1;
	s1 =	simm.s32 $0x1  }
0xb5: {  	s2 =	sor.u32 $0x80, s0;
	s1 =	simm.s32 @!p1 $0x0  }
0xb6: {  	s3 =	sor.u32 $0x90, s0;
	v7 =	vld [tilespmem:s2+$0x0];
	s1 =	sshll.u32 s1, $0x6  }
0xb7: {  	s28 =	sor.u32 $0xA0, s0;
	v1 =	vld [tilespmem:s3+$0x0];
	s1 =	sadd.s32 $0x9C80, s1  }
0xb8: {  	v3 =	vld [tilespmem:s28+$0x0];
	s30 =	sor.u32 $0x80, s1  }
0xb9: {  	v0 =	vimm.f32 $1.000000000e+00;
	s0 =	simm.s32 $0xA000;
	v5 =	vld [tilespmem:s30+$0x0]  }
0xba: {  	s29 =	sor.u32 $0xB0, s1;
	[tilespmem:v2+s0+$0x0] =	vst.idx.add.f32.msk $0xffff, v0  }
0xbb: {  	s31 =	sor.u32 $0x90, s1;
	v2 =	vld [tilespmem:s29+$0x0]  }
0xbc: {  	s1 =	sor.u32 $0xA0, s1;
	v6 =	vld [tilespmem:s31+$0x0]  }
0xbd: {  	v4 =	vld [tilespmem:s1+$0x0]  }
0xbe: {  	p1 =	por !p1, !p1;
	s2 =	simm.s32 $0x9C80;
	s1 =	simm.s32 $0x4E40;
	[tilespmem:v7+s0+$0x0] =	vst.idx.add.f32.msk $0xffff, v0  }
.LBB2_12:
0xbf: {  	s3 =	simm.s32 $0x1  }
0xc0: {  	s1 =	sadd.s32 $0x40, s1;
	[tilespmem:v1+s0+$0x0] =	vst.idx.add.f32.msk $0xffff, v0;
	s3 =	simm.s32 @!p1 $0x0  }
0xc1: {  	s2 =	sadd.s32 $0x80, s2;
	p2 =	slt.u32 s1, $0x4FC0;
	v7 =	vmov v5;
	s3 =	sshll.u32 s3, $0x6;
	[tilespmem:v3+s0+$0x0] =	vst.idx.add.f32.msk $0xffff, v0  }
0xc2: {  	v1 =	vmov v6;
	s3 =	sadd.s32 s3, s2  }
0xc3: {  	v3 =	vmov v4;
	s4 =	sor.u32 $0x80, s3;
	s5 =	sor.u32 $0x90, s3;
	s6 =	sor.u32 $0xB0, s3;
	[tilespmem:v2+s0+$0x0] =	vst.idx.add.f32.msk $0xffff, v0  }
.Ltmp6:
0xc4: {  	s3 =	sor.u32 $0xA0, s3;
	v2 =	vld [tilespmem:s6+$0x0];
	(pc) =	sbr.rel @p2 .LBB2_12-.Ltmp6, $4  }
0xc5: {  	v5 =	vld [tilespmem:s4+$0x0]  }
0xc6: {  	v6 =	vld [tilespmem:s5+$0x0]  }
0xc7: {  	v4 =	vld [tilespmem:s3+$0x0]  }
0xc8: {  	p1 =	por !p1, !p1;
	[tilespmem:v7+s0+$0x0] =	vst.idx.add.f32.msk $0xffff, v0  }
0xc9: {  	_ =	sdelay $0x3  }
0xca: {  	[tilespmem:v1+s0+$0x0] =	vst.idx.add.f32.msk $0xffff, v0  }
0xcb: {  	[tilespmem:v3+s0+$0x0] =	vst.idx.add.f32.msk $0xffff, v0  }
0xcc: {  	[tilespmem:v2+s0+$0x0] =	vst.idx.add.f32.msk $0xffff, v0  }
0xcd: {  	[tilespmem:v5+s0+$0x0] =	vst.idx.add.f32.msk $0xffff, v0  }
0xce: {  	[tilespmem:v6+s0+$0x0] =	vst.idx.add.f32.msk $0xffff, v0  }
0xcf: {  	[tilespmem:v4+s0+$0x0] =	vst.idx.add.f32.msk $0xffff, v0  }
.LBB2_14:
0xd0: {  	s0 =	simm.s32 $0x80;
	s1 =	simm.s32 $0x400  }
0xd1: {  	s2 =	simm.s32 $0xA000;
	[dreg:$0x14] =	wrdreg s8;
	s19 =	simm.s32 $0x4  }
0xd2: {  	[spmem:s8] =	stream.strided.scatter [tilespmem:s2], [sflag:$0x4], $0x2800, s1, s0, $0x38;
	[tilespmem:$0x17280] =	vst v63  }
0xd3: {  	_ =	swait.ge [sflag:s19], $0x2800  }
0xd4: {  	[sflag:s19] =	ssyncset.done $0x0  }
0xd5: {  	[sflag:s19] =	ssyncadd.s32 $0xFFFFD800  }
0xd6: {  	s20 =	simm.s32 $0x1400;
	[bflag:$0x0] =	sbarrier.arrive $0xFFFF  }
0xd7: {  	s21 =	simm.s32 $0x14000;
	s3 =	simm.s32 $0x11D00;
	[dreg:$0x13] =	wrdreg s7  }
0xd8: {  	[tilespmem:s3], [sflag:$0x4] =	stream.strided.gather [spmem:s7], $0x2800, s21, s20, $0x38;
	[tilespmem:$0x17280] =	vst v63  }
0xd9: {  	_ =	swait.ge [sflag:s19], $0x2800  }
0xda: {  	[sflag:s19] =	ssyncset.done $0x0  }
0xdb: {  	s22 =	simm.s32 $0x3;
	s23 =	simm.s32 $0x0;
	[sflag:s19] =	ssyncadd.s32 $0xFFFFD800  }
0xdc: {  	s5 =	simm.s32 $0x10;
	s9 =	sand.u32 $0x1C00, s23;
	_ =	swait.ge [sflag:s22], $0x2710  }
0xdd: {  	s12 =	sand.u32 $0x70, s5;
	s10 =	sadd.s32 $0x11D00, s9;
	[sflag:s22] =	ssyncset.done $0x0  }
0xde: {  	s6 =	sor.u32 s12, s10;
	[sflag:s22] =	ssyncadd.s32 $0xFFFFD8F0  }
0xdf: {  	v0 =	vld [tilespmem:s6+$0x80]  }
0xe0: {  	v1 =	vld [tilespmem:s6+$0x0];
	_ =	sdelay $0x1  }
0xe1: {  	v2 =	vld [tilespmem:s6+$0x100];
	_ =	sdelay $0x1  }
0xe2: {  	v3 =	vld [tilespmem:s6+$0x180]  }
0xe3: {  	v0 =	vadd.f32 v0, v1  }
0xe4: {  	v1 =	vld [tilespmem:s6+$0x200]  }
0xe5: {  	v0 =	vadd.f32 v2, v0  }
0xe6: {  	v2 =	vld [tilespmem:s6+$0x280]  }
0xe7: {  	v0 =	vadd.f32 v3, v0  }
0xe8: {  	v3 =	vld [tilespmem:s6+$0x300]  }
0xe9: {  	v0 =	vadd.f32 v1, v0  }
0xea: {  	s7 =	sadd.s32 $0x13100, s9;
	v1 =	vld [tilespmem:s6+$0x380]  }
0xeb: {  	s2 =	sor.u32 s12, s7;
	v0 =	vadd.f32 v2, v0  }
0xec: {  	s3 =	sadd.s32 $0x13180, s9;
	v2 =	vld [tilespmem:s2+$0x0]  }
0xed: {  	s24 =	sor.u32 s12, s3;
	v0 =	vadd.f32 v3, v0  }
0xee: {  	s6 =	sadd.s32 $0x13200, s9;
	v3 =	vld [tilespmem:s24+$0x0]  }
0xef: {  	s25 =	sor.u32 s12, s6;
	v0 =	vadd.f32 v1, v0  }
0xf0: {  	s5 =	sadd.s32 $0x13280, s9;
	v1 =	vld [tilespmem:s25+$0x0]  }
0xf1: {  	s26 =	sor.u32 s12, s5;
	v0 =	vadd.f32 v2, v0  }
0xf2: {  	s4 =	sadd.s32 $0x13300, s9;
	v2 =	vld [tilespmem:s26+$0x0]  }
0xf3: {  	s16 =	sand.u32 $0x60, s23;
	s31 =	sor.u32 s12, s4;
	v0 =	vadd.f32 v3, v0  }
0xf4: {  	s10 =	sor.u32 s16, s10;
	s2 =	sadd.s32 $0x13380, s9;
	v3 =	vld [tilespmem:s31+$0x0]  }
0xf5: {  	v4 =	vld [tilespmem:s10+$0x80];
	s13 =	sor.u32 s12, s2;
	v0 =	vadd.f32 v1, v0  }
0xf6: {  	s15 =	sadd.s32 $0x13400, s9;
	v1 =	vld [tilespmem:s13+$0x0]  }
0xf7: {  	s18 =	sor.u32 s12, s15;
	v5 =	vld [tilespmem:s10+$0x0];
	v0 =	vadd.f32 v2, v0  }
0xf8: {  	s19 =	sadd.s32 $0x13480, s9;
	v2 =	vld [tilespmem:s18+$0x0]  }
0xf9: {  	s20 =	sor.u32 s12, s19;
	v6 =	vld [tilespmem:s10+$0x100];
	v0 =	vadd.f32 v3, v0  }
0xfa: {  	s21 =	simm.s32 $0x100;
	v3 =	vld [tilespmem:s20+$0x0]  }
0xfb: {  	s0 =	sand.u32 $0x1C00, s21;
	s22 =	simm.s32 $0x30;
	v7 =	vld [tilespmem:s10+$0x180];
	v0 =	vadd.f32 v1, v0  }
0xfc: {  	s11 =	sadd.s32 $0x11D00, s0;
	s22 =	sand.u32 $0x70, s22;
	v8 =	vld [tilespmem:s10+$0x300]  }
0xfd: {  	s13 =	sor.u32 s22, s11;
	v0 =	vadd.f32 v2, v0;
	v2 =	vadd.f32 v4, v5;
	v4 =	vld [tilespmem:s10+$0x200]  }
0xfe: {  	v5 =	vld [tilespmem:s13+$0x80]  }
0xff: {  	v0 =	vadd.f32 v3, v0;
	v2 =	vadd.f32 v6, v2;
	v3 =	vld [tilespmem:s13+$0x0]  }
0x100: {  	v1 =	vld [tilespmem:s10+$0x280]  }
0x101: {  	s23 =	simm.s32 $0x20;
	v0 =	vadd.f32 $1.000000000e+00, v0;
	v2 =	vadd.f32 v7, v2;
	v7 =	vld [tilespmem:s13+$0x100]  }
0x102: {  	s23 =	sand.u32 $0x60, s23;
	v10 =	vld [tilespmem:s10+$0x380]  }
0x103: {  	s17 =	sor.u32 s23, s11;
	v9 =	vshra.s32 v0, $0x1;
	v0 =	vmul.f32 $5.000000000e-01, v0;
	v2 =	vadd.f32 v4, v2;
	v4 =	vld [tilespmem:s13+$0x180]  }
0x104: {  	v13 =	vld [tilespmem:s17+$0x200];
	v9 =	vsub.s32 $0x5F3759DF, v9;
	v3 =	vadd.f32 v5, v3  }
0x105: {  	s8 =	sor.u32 s16, s7;
	v5 =	vmul.f32 v9, v0;
	v1 =	vadd.f32 v1, v2;
	v2 =	vld [tilespmem:s13+$0x200]  }
0x106: {  	v3 =	vadd.f32 v7, v3;
	v7 =	vld [tilespmem:s8+$0x0]  }
0x107: {  	s7 =	sor.u32 s16, s3;
	v5 =	vmul.f32 v9, v5;
	v1 =	vadd.f32 v8, v1;
	v8 =	vld [tilespmem:s13+$0x280]  }
0x108: {  	v3 =	vadd.f32 v4, v3;
	v4 =	vld [tilespmem:s7+$0x0]  }
0x109: {  	s6 =	sor.u32 s16, s6;
	v11 =	vld [tilespmem:s13+$0x300];
	v5 =	vsub.f32 $1.500000000e+00, v5;
	v1 =	vadd.f32 v10, v1  }
0x10a: {  	v2 =	vadd.f32 v2, v3;
	v3 =	vld [tilespmem:s6+$0x0]  }
0x10b: {  	s5 =	sor.u32 s16, s5;
	s7 =	sadd.s32 $0x13100, s0;
	v5 =	vmul.f32 v9, v5;
	v9 =	vld [tilespmem:s13+$0x380];
	v1 =	vadd.f32 v7, v1  }
0x10c: {  	s24 =	sor.u32 s22, s7;
	v7 =	vld [tilespmem:s5+$0x0];
	v2 =	vadd.f32 v8, v2  }
0x10d: {  	s4 =	sor.u32 s16, s4;
	s8 =	sadd.s32 $0x13180, s0;
	v10 =	vld [tilespmem:s24+$0x0];
	v8 =	vmul.f32 v5, v0;
	v1 =	vadd.f32 v4, v1  }
0x10e: {  	s25 =	sor.u32 s22, s8;
	v4 =	vld [tilespmem:s4+$0x0];
	v2 =	vadd.f32 v11, v2  }
0x10f: {  	s3 =	sor.u32 s16, s2;
	s4 =	sadd.s32 $0x13200, s0;
	v11 =	vld [tilespmem:s25+$0x0];
	v8 =	vmul.f32 v8, v5;
	v1 =	vadd.f32 v3, v1  }
0x110: {  	s26 =	sor.u32 s22, s4;
	v3 =	vld [tilespmem:s3+$0x0];
	v2 =	vadd.f32 v9, v2  }
0x111: {  	s21 =	sadd.s32 $0x13280, s0;
	s2 =	sor.u32 s16, s15;
	v9 =	vld [tilespmem:s26+$0x0];
	v8 =	vsub.f32 $1.500000000e+00, v8;
	v1 =	vadd.f32 v7, v1  }
0x112: {  	s31 =	sor.u32 s22, s21;
	v7 =	vld [tilespmem:s2+$0x0];
	v2 =	vadd.f32 v10, v2  }
0x113: {  	s1 =	sor.u32 s16, s19;
	s20 =	sadd.s32 $0x13300, s0;
	v5 =	vmul.f32 v8, v5;
	v8 =	vld [tilespmem:s31+$0x0];
	v1 =	vadd.f32 v4, v1  }
0x114: {  	s3 =	sor.u32 s22, s20;
	v4 =	vld [tilespmem:s1+$0x0];
	v2 =	vadd.f32 v11, v2  }
0x115: {  	s18 =	sadd.s32 $0x13380, s0;
	v10 =	vld [tilespmem:s3+$0x0];
	v0 =	vmul.f32 v5, v0;
	v1 =	vadd.f32 v3, v1  }
0x116: {  	v14 =	vld [tilespmem:s17+$0x380];
	s5 =	sor.u32 s22, s18;
	v2 =	vadd.f32 v9, v2  }
0x117: {  	s3 =	sadd.s32 $0x13400, s0;
	v9 =	vld [tilespmem:s5+$0x0];
	v0 =	vmul.f32 v0, v5;
	v1 =	vadd.f32 v7, v1  }
0x118: {  	v6 =	vld [tilespmem:s17+$0x80];
	s6 =	sor.u32 s22, s3;
	v2 =	vadd.f32 v8, v2  }
0x119: {  	s0 =	sadd.s32 $0x13480, s0;
	v7 =	vld [tilespmem:s6+$0x0];
	v0 =	vsub.f32 $1.500000000e+00, v0;
	v1 =	vadd.f32 v4, v1  }
0x11a: {  	s9 =	sor.u32 s22, s0;
	v8 =	vld [tilespmem:s17+$0x0];
	v4 =	vadd.f32 v10, v2  }
0x11b: {  	s10 =	sadd.s32 $0x0, s14;
	v10 =	vld [tilespmem:s9+$0x0];
	v2 =	vmul.f32 v0, v5;
	v0 =	vadd.f32 $1.000000000e+00, v1  }
0x11c: {  	s11 =	simm.s32 $0x200;
	s26 =	sor.u32 s23, s8;
	s2 =	sand.u32 $0x7F80, s10;
	v5 =	vld [tilespmem:s17+$0x100];
	v4 =	vadd.f32 v9, v4  }
0x11d: {  	s13 =	simm.s32 $0x50;
	v58 =	vld [tilespmem:s26+$0x0];
	s19 =	sadd.s32 $0xF000, s2;
	s2 =	sand.u32 $0x1C00, s11;
	v9 =	vshra.s32 v0, $0x1;
	v11 =	vmul.f32 $5.000000000e-01, v0  }
0x11e: {  	s13 =	sand.u32 $0x70, s13;
	s8 =	sor.u32 s23, s20;
	s24 =	sadd.s32 $0x11D00, s2;
	v1 =	vld [tilespmem:s17+$0x180];
	v4 =	vadd.f32 v7, v4;
	v7 =	vsub.s32 $0x5F3759DF, v9  }
0x11f: {  	v61 =	vld [tilespmem:s8+$0x0];
	s5 =	sor.u32 s13, s24;
	v6 =	vadd.f32 v6, v8;
	v9 =	vmul.f32 v7, v11  }
0x120: {  	v8 =	vld [tilespmem:s5+$0x80];
	v4 =	vadd.f32 v10, v4  }
0x121: {  	v5 =	vadd.f32 v5, v6;
	v6 =	vld [tilespmem:s5+$0x0];
	v9 =	vmul.f32 v7, v9  }
0x122: {  	v3 =	vld [tilespmem:s17+$0x280];
	v4 =	vadd.f32 $1.000000000e+00, v4  }
0x123: {  	v1 =	vadd.f32 v1, v5;
	v5 =	vld [tilespmem:s5+$0x100];
	v9 =	vsub.f32 $1.500000000e+00, v9  }
0x124: {  	v10 =	vld [tilespmem:s17+$0x300];
	v15 =	vshra.s32 v4, $0x1;
	v4 =	vmul.f32 $5.000000000e-01, v4  }
0x125: {  	v57 =	vld [tilespmem:s5+$0x180];
	v1 =	vadd.f32 v13, v1;
	v15 =	vsub.s32 $0x5F3759DF, v15;
	v7 =	vmul.f32 v7, v9  }
0x126: {  	v59 =	vld [tilespmem:s5+$0x300];
	v6 =	vadd.f32 v8, v6;
	v9 =	vmul.f32 v15, v4  }
0x127: {  	s25 =	sor.u32 s23, s7;
	v1 =	vadd.f32 v3, v1;
	v3 =	vld [tilespmem:s5+$0x200];
	v16 =	vmul.f32 v7, v11  }
0x128: {  	s6 =	sadd.s32 $0x13100, s2;
	v5 =	vadd.f32 v5, v6;
	v6 =	vld [tilespmem:s25+$0x0];
	v9 =	vmul.f32 v15, v9  }
0x129: {  	s1 =	simm.s32 $0x11810;
	s7 =	sor.u32 s13, s6;
	v1 =	vadd.f32 v10, v1;
	v10 =	vld [tilespmem:s5+$0x280];
	v16 =	vmul.f32 v16, v7  }
0x12a: {  	s15 =	sor.u32 s12, s19;
	v60 =	vld [tilespmem:s7+$0x0];
	[tilespmem:s1+$0x0] =	vst v2;
	v5 =	vadd.f32 v57, v5;
	v9 =	vsub.f32 $1.500000000e+00, v9  }
0x12b: {  	s31 =	sor.u32 s23, s4;
	v12 =	vld [tilespmem:s15+$0x0];
	v1 =	vadd.f32 v14, v1;
	v16 =	vsub.f32 $1.500000000e+00, v16  }
0x12c: {  	s12 =	simm.s32 $0x40;
	v3 =	vadd.f32 v3, v5;
	v5 =	vmul.f32 v15, v9;
	v9 =	vld [tilespmem:s31+$0x0]  }
0x12d: {  	s4 =	sor.u32 s23, s21;
	s11 =	sand.u32 $0x60, s12;
	v1 =	vadd.f32 v6, v1;
	v6 =	vld [tilespmem:s5+$0x380];
	v7 =	vmul.f32 v16, v7  }
0x12e: {  	s15 =	sor.u32 s11, s24;
	v3 =	vadd.f32 v10, v3;
	v10 =	vld [tilespmem:s4+$0x0];
	v15 =	vmul.f32 v5, v4  }
0x12f: {  	s9 =	sadd.s32 $0x13180, s2;
	s24 =	sor.u32 s23, s3;
	v0 =	vld [tilespmem:s15+$0x80];
	v1 =	vadd.f32 v58, v1;
	v11 =	vmul.f32 v7, v11  }
0x130: {  	v62 =	vld [tilespmem:s24+$0x0];
	s17 =	sor.u32 s13, s9;
	v3 =	vadd.f32 v59, v3;
	v15 =	vmul.f32 v15, v5  }
0x131: {  	s20 =	sor.u32 s23, s18;
	s7 =	sadd.s32 $0x13200, s2;
	v1 =	vadd.f32 v9, v1;
	v9 =	vld [tilespmem:s17+$0x0];
	v11 =	vmul.f32 v11, v7  }
0x132: {  	s21 =	sor.u32 s13, s7;
	v3 =	vadd.f32 v6, v3;
	v6 =	vld [tilespmem:s20+$0x0];
	v15 =	vsub.f32 $1.500000000e+00, v15  }
0x133: {  	s0 =	sor.u32 s23, s0;
	s3 =	sadd.s32 $0x13280, s2;
	v1 =	vadd.f32 v10, v1;
	v10 =	vld [tilespmem:s21+$0x0];
	v11 =	vsub.f32 $1.500000000e+00, v11  }
0x134: {  	v8 =	vld [tilespmem:s0+$0x0];
	s25 =	sor.u32 s13, s3;
	v3 =	vadd.f32 v60, v3  }
0x135: {  	s5 =	sadd.s32 $0x13300, s2;
	v15 =	vmul.f32 v15, v5;
	v5 =	vld [tilespmem:s25+$0x0];
	v14 =	vadd.f32 v61, v1;
	v11 =	vmul.f32 v11, v7  }
0x136: {  	s29 =	simm.s32 $0x300;
	s18 =	simm.s32 $0x11A90;
	s26 =	sor.u32 s13, s5;
	v1 =	vld [tilespmem:s15+$0x280];
	v3 =	vadd.f32 v9, v3  }
0x137: {  	s10 =	sadd.s32 $0x13380, s2;
	s19 =	sor.u32 s16, s19;
	s16 =	simm.s32 $0x11AB0;
	v9 =	vld [tilespmem:s26+$0x0];
	v4 =	vmul.f32 v15, v4;
	v7 =	vadd.f32 v6, v14;
	[tilespmem:s1+$0xFFFFFFF0] =	vst v11  }
0x138: {  	s24 =	sor.u32 s11, s6;
	s31 =	sadd.s32 $0x13400, s2;
	s17 =	sor.u32 s13, s10;
	v3 =	vadd.f32 v10, v3;
	v63 =	vld [tilespmem:s19+$0x0]  }
0x139: {  	s6 =	sor.u32 s11, s9;
	s2 =	sadd.s32 $0x13480, s2;
	s20 =	sor.u32 s13, s31;
	v6 =	vld [tilespmem:s17+$0x0];
	v10 =	vmul.f32 v4, v15;
	v13 =	vadd.f32 v62, v7  }
0x13a: {  	s30 =	sor.u32 s11, s2;
	s28 =	sor.u32 s11, s5;
	s21 =	sor.u32 s13, s2;
	v4 =	vld [tilespmem:s20+$0x0];
	v3 =	vadd.f32 v5, v3  }
0x13b: {  	v2 =	vmul.f32 v2, v12;
	s25 =	sor.u32 s11, s3;
	s3 =	sor.u32 s11, s31;
	s31 =	sadd.s32 $0x20, s14;
	v7 =	vld [tilespmem:s15+$0x0];
	v10 =	vsub.f32 $1.500000000e+00, v10;
	v8 =	vadd.f32 v8, v13  }
0x13c: {  	s5 =	sor.u32 s11, s10;
	s0 =	sand.u32 $0x7F80, s31;
	s26 =	sor.u32 s11, s7;
	v5 =	vld [tilespmem:s21+$0x0];
	v9 =	vadd.f32 v9, v3  }
0x13d: {  	[tilespmem:s18+$0x0] =	vst v2;
	s7 =	simm.s32 $0x60;
	s17 =	simm.s32 $0x11830;
	s19 =	sadd.s32 $0xF000, s0;
	v2 =	vmul.f32 v10, v15;
	v10 =	vld [tilespmem:s15+$0x100];
	v8 =	vadd.f32 $1.000000000e+00, v8;
	v3 =	vmul.f32 v11, v63  }
.LBB2_15:
0x13e: {  	[dreg:$0xa] =	wrdreg s5  }
0x13f: {  	s2 =	sand.u32 $0x1C00, s29;
	s0 =	sadd.s32 $0x10, s7;
	s1 =	sor.u32 s22, s19  }
0x140: {  	v11 =	vld [tilespmem:s15+$0x180];
	s5 =	smov.u32 s13;
	[tilespmem:s17+$0x0] =	vst v2;
	s20 =	sadd.s32 $0x11D00, s2;
	s13 =	sand.u32 $0x70, s0;
	v6 =	vadd.f32 v6, v9  }
0x141: {  	v12 =	vld [tilespmem:s1+$0x0];
	s10 =	sor.u32 s13, s20;
	v9 =	vshra.s32 v8, $0x1;
	v8 =	vmul.f32 $5.000000000e-01, v8  }
0x142: {  	[tilespmem:s18+$0xFFFFFFF0] =	vst v3;
	v55 =	vld [tilespmem:s10+$0x100];
	v3 =	vadd.f32 v0, v7;
	v4 =	vadd.f32 v4, v6;
	v6 =	vsub.s32 $0x5F3759DF, v9  }
0x143: {  	v7 =	vld [tilespmem:s15+$0x200];
	v13 =	vmul.f32 v6, v8  }
0x144: {  	s31 =	sand.u32 $0x60, s7;
	v9 =	vld [tilespmem:s10+$0x80];
	v3 =	vadd.f32 v10, v3;
	v4 =	vadd.f32 v5, v4  }
0x145: {  	[dreg:$0x10] =	wrdreg s26;
	s18 =	sor.u32 s31, s20;
	v5 =	vld [tilespmem:s10+$0x0];
	v10 =	vmul.f32 v6, v13  }
0x146: {  	[dreg:$0xb] =	wrdreg s23;
	v0 =	vld [tilespmem:s18+$0x80];
	v2 =	vmul.f32 v2, v12;
	v3 =	vadd.f32 v11, v3;
	v4 =	vadd.f32 $1.000000000e+00, v4  }
0x147: {  	[dreg:$0x9] =	wrdreg s11;
	v11 =	vld [tilespmem:s15+$0x300];
	v10 =	vsub.f32 $1.500000000e+00, v10  }
0x148: {  	[dreg:$0x8] =	wrdreg s3;
	[tilespmem:s16+$0x0] =	vst v2;
	v3 =	vadd.f32 v7, v3;
	v7 =	vld [tilespmem:s15+$0x380];
	v56 =	vshra.s32 v4, $0x1;
	v4 =	vmul.f32 $5.000000000e-01, v4  }
0x149: {  	[dreg:$0x7] =	wrdreg s12;
	v2 =	vld [tilespmem:s10+$0x180];
	v13 =	vsub.s32 $0x5F3759DF, v56;
	v6 =	vmul.f32 v6, v10  }
0x14a: {  	s8 =	smov.u32 s7;
	s26 =	smov.u32 s6;
	s23 =	smov.u32 s14;
	v57 =	vld [tilespmem:s10+$0x280];
	v1 =	vadd.f32 v1, v3;
	v5 =	vadd.f32 v9, v5;
	v9 =	vmul.f32 v13, v4  }
0x14b: {  	p1 =	slt.u32 s7, $0x260;
	s0 =	smov.u32 s25;
	s25 =	smov.u32 s24;
	v10 =	vld [tilespmem:s10+$0x200];
	v14 =	vmul.f32 v6, v8  }
0x14c: {  	s29 =	sadd.s32 $0x100, s29;
	[dreg:$0x6] =	wrdreg s8;
	s6 =	sadd.s32 $0x13100, s2;
	v1 =	vadd.f32 v11, v1;
	v11 =	vld [tilespmem:s25+$0x0];
	v5 =	vadd.f32 v55, v5;
	v9 =	vmul.f32 v13, v9  }
0x14d: {  	s11 =	sadd.s32 $0x13180, s2;
	s12 =	sadd.s32 $0x13200, s2;
	s14 =	sadd.s32 $0x13280, s2;
	v15 =	vld [tilespmem:s10+$0x300];
	v14 =	vmul.f32 v14, v6  }
0x14e: {  	s24 =	smov.u32 s30;
	s30 =	sadd.s32 $0x13380, s2;
	s1 =	sor.u32 s13, s6;
	v2 =	vadd.f32 v2, v5;
	v5 =	vld [tilespmem:s26+$0x0];
	v9 =	vsub.f32 $1.500000000e+00, v9  }
0x14f: {  	s9 =	sor.u32 s13, s11;
	s3 =	sor.u32 s13, s12;
	v58 =	vld [tilespmem:s10+$0x380];
	v1 =	vadd.f32 v7, v1;
	s26 =	rddreg [dreg:$0x10];
	v7 =	vsub.f32 $1.500000000e+00, v14  }
0x150: {  	s20 =	sadd.s32 $0x13300, s2;
	s21 =	sor.u32 s13, s14;
	s4 =	sor.u32 s13, s30;
	v2 =	vadd.f32 v10, v2;
	v10 =	vld [tilespmem:s26+$0x0];
	v9 =	vmul.f32 v13, v9  }
0x151: {  	s6 =	sor.u32 s31, s6;
	[dreg:$0xf] =	wrdreg s21;
	s21 =	sadd.s32 $0x13400, s2;
	v59 =	vld [tilespmem:s1+$0x0];
	v1 =	vadd.f32 v11, v1;
	v6 =	vmul.f32 v7, v6  }
0x152: {  	s22 =	sor.u32 s13, s20;
	[dreg:$0xc] =	wrdreg s4;
	s2 =	sadd.s32 $0x13480, s2;
	v2 =	vadd.f32 v57, v2;
	v7 =	vld [tilespmem:s0+$0x0];
	v11 =	vmul.f32 v9, v4  }
0x153: {  	s4 =	sor.u32 s31, s12;
	[dreg:$0xe] =	wrdreg s22;
	s22 =	sor.u32 s13, s21;
	v60 =	vld [tilespmem:s9+$0x0];
	v1 =	vadd.f32 v5, v1;
	v5 =	vmul.f32 v6, v8  }
0x154: {  	s12 =	sor.u32 s31, s30;
	[dreg:$0xd] =	wrdreg s22;
	s22 =	sor.u32 s31, s2;
	v2 =	vadd.f32 v15, v2;
	v8 =	vld [tilespmem:s28+$0x0];
	v11 =	vmul.f32 v11, v9  }
0x155: {  	s30 =	smov.u32 s22;
	s22 =	smov.u32 s5;
	s5 =	rddreg [dreg:$0xa];
	v61 =	vld [tilespmem:s3+$0x0];
	v1 =	vadd.f32 v10, v1;
	v5 =	vmul.f32 v5, v6  }
0x156: {  	s8 =	sor.u32 s31, s11;
	s14 =	sor.u32 s31, s14;
	s20 =	sor.u32 s31, s20;
	v10 =	vld [tilespmem:s5+$0x0];
	v2 =	vadd.f32 v58, v2;
	v11 =	vsub.f32 $1.500000000e+00, v11  }
0x157: {  	s11 =	sor.u32 s31, s21;
	s21 =	sadd.s32 $0x20, s7;
	s7 =	rddreg [dreg:$0x8];
	v3 =	vld [tilespmem:s24+$0x0];
	v1 =	vadd.f32 v7, v1;
	v5 =	vsub.f32 $1.500000000e+00, v5  }
0x158: {  	s24 =	smov.u32 s6;
	s6 =	smov.u32 s8;
	s8 =	rddreg [dreg:$0xf];
	v7 =	vld [tilespmem:s7+$0x0];
	v2 =	vadd.f32 v59, v2  }
0x159: {  	s2 =	sor.u32 s13, s2;
	s15 =	smov.u32 s18;
	s9 =	rddreg [dreg:$0xe];
	v11 =	vmul.f32 v11, v9;
	v9 =	vld [tilespmem:s8+$0x0];
	v8 =	vadd.f32 v8, v1;
	v62 =	vmul.f32 v5, v6  }
0x15a: {  	s18 =	smov.u32 s16;
	s3 =	smov.u32 s11;
	s10 =	rddreg [dreg:$0xb];
	v1 =	vld [tilespmem:s15+$0x280];
	v2 =	vadd.f32 v60, v2  }
0x15b: {  	s11 =	rddreg [dreg:$0x9];
	s16 =	sadd.s32 $0x20, s16;
	s0 =	sor.u32 s10, s19;
	v5 =	vld [tilespmem:s9+$0x0];
	v4 =	vmul.f32 v11, v4;
	v8 =	vadd.f32 v10, v8;
	[tilespmem:s17+$0xFFFFFFF0] =	vst v62  }
0x15c: {  	s25 =	smov.u32 s14;
	s5 =	smov.u32 s12;
	s12 =	rddreg [dreg:$0xc];
	v2 =	vadd.f32 v61, v2;
	v63 =	vld [tilespmem:s0+$0x0]  }
.Ltmp7:
0x15d: {  	s14 =	smov.u32 s23;
	s19 =	rddreg [dreg:$0xd];
	v6 =	vld [tilespmem:s12+$0x0];
	v10 =	vmul.f32 v4, v11;
	v8 =	vadd.f32 v7, v8;
	(pc) =	sbr.rel @p1 .LBB2_15-.Ltmp7, $4  }
0x15e: {  	s23 =	smov.u32 s11;
	s28 =	smov.u32 s20;
	s20 =	rddreg [dreg:$0x7];
	v4 =	vld [tilespmem:s19+$0x0];
	v2 =	vadd.f32 v9, v2  }
0x15f: {  	s11 =	smov.u32 s31;
	s31 =	rddreg [dreg:$0x6];
	v7 =	vld [tilespmem:s15+$0x0];
	s0 =	sadd.s32 s20, s14;
	v10 =	vsub.f32 $1.500000000e+00, v10;
	v3 =	vadd.f32 v3, v8  }
0x160: {  	s26 =	smov.u32 s4;
	s7 =	smov.u32 s21;
	s0 =	sand.u32 $0x7F80, s0;
	v9 =	vadd.f32 v5, v2;
	v5 =	vld [tilespmem:s2+$0x0]  }
0x161: {  	s12 =	smov.u32 s31;
	s17 =	sadd.s32 $0x20, s17;
	s19 =	sadd.s32 $0xF000, s0;
	v2 =	vmul.f32 v10, v11;
	v10 =	vld [tilespmem:s15+$0x100];
	v8 =	vadd.f32 $1.000000000e+00, v3;
	v3 =	vmul.f32 v62, v63  }
0x162: {  	_ = 	snop  }
0x163: {  	v11 =	vld [tilespmem:s15+$0x180]  }
0x164: {  	v0 =	vadd.f32 v0, v7  }
0x165: {  	v7 =	vld [tilespmem:s15+$0x200]  }
0x166: {  	v0 =	vadd.f32 v10, v0;
	_ =	sdelay $0x1  }
0x167: {  	v0 =	vadd.f32 v11, v0  }
0x168: {  	v55 =	vld [tilespmem:s15+$0x300]  }
0x169: {  	v0 =	vadd.f32 v7, v0  }
0x16a: {  	v7 =	vld [tilespmem:s15+$0x380]  }
0x16b: {  	v0 =	vadd.f32 v1, v0  }
0x16c: {  	v1 =	vld [tilespmem:s24+$0x0]  }
0x16d: {  	v0 =	vadd.f32 v55, v0  }
0x16e: {  	v56 =	vld [tilespmem:s6+$0x0]  }
0x16f: {  	v0 =	vadd.f32 v7, v0  }
0x170: {  	v7 =	vld [tilespmem:s26+$0x0]  }
0x171: {  	v0 =	vadd.f32 v1, v0  }
0x172: {  	v1 =	vld [tilespmem:s25+$0x0]  }
0x173: {  	v0 =	vadd.f32 v56, v0  }
0x174: {  	v57 =	vld [tilespmem:s28+$0x0]  }
0x175: {  	v0 =	vadd.f32 v7, v0  }
0x176: {  	v7 =	vld [tilespmem:s5+$0x0]  }
0x177: {  	v0 =	vadd.f32 v1, v0  }
0x178: {  	v1 =	vld [tilespmem:s3+$0x0]  }
0x179: {  	v0 =	vadd.f32 v57, v0  }
0x17a: {  	v6 =	vadd.f32 v6, v9;
	v58 =	vld [tilespmem:s30+$0x0]  }
0x17b: {  	v0 =	vadd.f32 v7, v0  }
0x17c: {  	v4 =	vadd.f32 v4, v6  }
0x17d: {  	v0 =	vadd.f32 v1, v0  }
0x17e: {  	v1 =	vadd.f32 v5, v4  }
0x17f: {  	v0 =	vadd.f32 v58, v0  }
0x180: {  	v4 =	vshra.s32 v8, $0x1;
	v5 =	vmul.f32 $5.000000000e-01, v8;
	v1 =	vadd.f32 $1.000000000e+00, v1  }
0x181: {  	v4 =	vsub.s32 $0x5F3759DF, v4;
	v0 =	vadd.f32 $1.000000000e+00, v0  }
0x182: {  	v6 =	vmul.f32 v4, v5;
	v7 =	vshra.s32 v1, $0x1;
	v1 =	vmul.f32 $5.000000000e-01, v1  }
0x183: {  	v7 =	vsub.s32 $0x5F3759DF, v7;
	v8 =	vshra.s32 v0, $0x1;
	v0 =	vmul.f32 $5.000000000e-01, v0  }
0x184: {  	v59 =	vmul.f32 v7, v1;
	v8 =	vsub.s32 $0x5F3759DF, v8  }
0x185: {  	v6 =	vmul.f32 v4, v6;
	v60 =	vmul.f32 v8, v0  }
0x186: {  	v9 =	vmul.f32 v7, v59  }
0x187: {  	v6 =	vsub.f32 $1.500000000e+00, v6;
	v10 =	vmul.f32 v8, v60  }
0x188: {  	v9 =	vsub.f32 $1.500000000e+00, v9  }
0x189: {  	v4 =	vmul.f32 v4, v6;
	v6 =	vsub.f32 $1.500000000e+00, v10  }
0x18a: {  	v7 =	vmul.f32 v7, v9  }
0x18b: {  	v61 =	vmul.f32 v4, v5;
	v6 =	vmul.f32 v8, v6  }
0x18c: {  	v8 =	vmul.f32 v7, v1  }
0x18d: {  	v9 =	vmul.f32 v61, v4;
	v62 =	vmul.f32 v6, v0  }
0x18e: {  	v8 =	vmul.f32 v8, v7  }
0x18f: {  	v9 =	vsub.f32 $1.500000000e+00, v9;
	v10 =	vmul.f32 v62, v6  }
0x190: {  	v8 =	vsub.f32 $1.500000000e+00, v8  }
0x191: {  	v4 =	vmul.f32 v9, v4;
	v63 =	vsub.f32 $1.500000000e+00, v10  }
0x192: {  	v7 =	vmul.f32 v8, v7  }
0x193: {  	v5 =	vmul.f32 v4, v5;
	v6 =	vmul.f32 v63, v6  }
0x194: {  	v1 =	vmul.f32 v7, v1  }
0x195: {  	v5 =	vmul.f32 v5, v4;
	v0 =	vmul.f32 v6, v0  }
0x196: {  	v1 =	vmul.f32 v1, v7  }
0x197: {  	v5 =	vsub.f32 $1.500000000e+00, v5;
	v0 =	vmul.f32 v0, v6  }
0x198: {  	v1 =	vsub.f32 $1.500000000e+00, v1  }
0x199: {  	s0 =	sadd.s32 s12, s14;
	v4 =	vmul.f32 v5, v4;
	v0 =	vsub.f32 $1.500000000e+00, v0  }
0x19a: {  	s1 =	sor.u32 s22, s19;
	[tilespmem:s17+$0x0] =	vst v2;
	s0 =	sand.u32 $0x7F80, s0;
	v1 =	vmul.f32 v1, v7  }
0x19b: {  	s19 =	sor.u32 s23, s19;
	s2 =	sadd.s32 $0x20, s17;
	s0 =	sadd.s32 $0xF000, s0;
	v5 =	vld [tilespmem:s1+$0x0];
	[tilespmem:s17+$0xFFFFFFF0] =	vst v4;
	v0 =	vmul.f32 v0, v6  }
0x19c: {  	s20 =	sor.u32 s13, s0;
	v6 =	vld [tilespmem:s19+$0x0];
	[tilespmem:s2+$0x0] =	vst v1  }
0x19d: {  	s0 =	sor.u32 s11, s0;
	v7 =	vld [tilespmem:s20+$0x0];
	[tilespmem:s2+$0xFFFFFFF0] =	vst v0  }
0x19e: {  	v8 =	vld [tilespmem:s0+$0x0];
	_ =	sdelay $0x1  }
0x19f: {  	v2 =	vmul.f32 v2, v5  }
0x1a0: {  	[tilespmem:s18+$0xFFFFFFF0] =	vst v3;
	v3 =	vmul.f32 v4, v6  }
0x1a1: {  	[tilespmem:s16+$0x0] =	vst v2;
	v1 =	vmul.f32 v1, v7  }
0x1a2: {  	s21 =	sadd.s32 $0x20, s16;
	[tilespmem:s16+$0xFFFFFFF0] =	vst v3;
	v0 =	vmul.f32 v0, v8  }
0x1a3: {  	[tilespmem:s21+$0x0] =	vst v1  }
0x1a4: {  	[tilespmem:s21+$0xFFFFFFF0] =	vst v0  }
0x1a5: {  	s22 =	simm.s32 $0x11A80;
	s24 =	simm.s32 $0x4;
	s23 =	rddreg [dreg:$0x16]  }
0x1a6: {  	[spmem:s23] =	stream.linear.scatter [tilespmem:s22], [sflag:$0x4], $0x280, $0x38;
	[tilespmem:$0x17280] =	vst v63  }
0x1a7: {  	_ =	swait.ge [sflag:s24], $0x280  }
0x1a8: {  	[sflag:s24] =	ssyncset.done $0x0  }
0x1a9: {  	[sflag:s24] =	ssyncadd.s32 $0xFFFFFD80  }
0x1aa: {  	[bflag:$0x0] =	sbarrier.arrive $0xFFFF  }
0x1ab: {  	s8 =	simm.s32 $0xA000;
	s25 =	rddreg [dreg:$0x4]  }
0x1ac: {  	[tilespmem:s8], [sflag:$0x4] =	stream.linear.gather [spmem:s25], $0x2800, $0x38;
	[tilespmem:$0x17280] =	vst v63  }
0x1ad: {  	s26 =	simm.s32 $0x0;
	_ =	swait.ge [sflag:s24], $0x2800  }
0x1ae: {  	s28 =	sand.u32 $0x40, s26;
	s1 =	sand.u32 $0x7FFFFF00, s26;
	[sflag:s24] =	ssyncset.done $0x0  }
0x1af: {  	s1 =	sor.u32 s28, s1;
	[sflag:s24] =	ssyncadd.s32 $0xFFFFD800  }
0x1b0: {  	v3 =	vld [tilespmem:s1+$0x10]  }
0x1b1: {  	p1 =	por $0x0, $0x0;
	s2 =	simm.s32 $0x1  }
0x1b2: {  	s2 =	simm.s32 @!p1 $0x0;
	v0 =	vld [tilespmem:s1+$0x30]  }
0x1b3: {  	s2 =	sshll.u32 s2, $0x6;
	v1 =	vld [tilespmem:s1+$0x0]  }
0x1b4: {  	s2 =	sadd.s32 $0x0, s2;
	v5 =	vld [tilespmem:s1+$0x20]  }
0x1b5: {  	s29 =	sadd.s32 $0x30, s2  }
0x1b6: {  	s1 =	sor.u32 $0x80, s29  }
0x1b7: {  	s31 =	sadd.s32 $0x20, s2;
	v6 =	vld [tilespmem:s1+$0x0]  }
0x1b8: {  	s1 =	sor.u32 $0x80, s31;
	v4 =	vld.idx.msk [tilespmem:v3+s8+$0x0], $0xffff  }
0x1b9: {  	s6 =	rddreg [dreg:$0x15];
	v3 =	vld [tilespmem:s1+$0x0]  }
0x1ba: {  	p2 =	sgt.u32 s6, $0x40;
	v7 =	vld.idx.msk [tilespmem:v0+s8+$0x0], $0xffff  }
.Ltmp8:
0x1bb: {  	v0 =	vld.idx.msk [tilespmem:v1+s8+$0x0], $0xffff;
	(pc) =	sbr.rel @!p2 .LBB2_17-.Ltmp8, $4  }
0x1bc: {  	s30 =	sadd.s32 $0x10, s2;
	v1 =	vld.idx.msk [tilespmem:v5+s8+$0x0], $0xffff  }
0x1bd: {  	s3 =	sor.u32 $0x80, s30  }
0x1be: {  	s7 =	simm.s32 $0xC800;
	s2 =	sor.u32 $0x80, s2;
	v2 =	vld [tilespmem:s3+$0x0]  }
0x1bf: {  	s0 =	simm.s32 $0x1;
	s1 =	simm.s32 $0x40;
	v5 =	vld [tilespmem:s2+$0x0];
	s2 =	simm.s32 $0x80  }
0x1c0: {  	_ =	sdelay $0x2  }
0x1c1: {  	s1 =	sand.u32 $0x40, s1;
	s2 =	sand.u32 $0x7FFFFF00, s2  }
0x1c2: {  	[tilespmem:v6+s7+$0x0] =	vst.idx.add.f32.msk $0xffff, v7;
	s1 =	sor.u32 s1, s2  }
0x1c3: {  	p2 =	por !p1, !p1;
	v7 =	vld [tilespmem:s1+$0x30]  }
0x1c4: {  	s0 =	simm.s32 @!p2 $0x0;
	v8 =	vld [tilespmem:s1+$0x0]  }
0x1c5: {  	s0 =	sshll.u32 s0, $0x6;
	v9 =	vld [tilespmem:s1+$0x10]  }
0x1c6: {  	v10 =	vld [tilespmem:s1+$0x20];
	s0 =	sadd.s32 $0x80, s0  }
0x1c7: {  	[tilespmem:v2+s7+$0x0] =	vst.idx.add.f32.msk $0xffff, v4;
	s28 =	sadd.s32 $0x30, s0  }
0x1c8: {  	s29 =	sadd.s32 $0x10, s0;
	[tilespmem:v5+s7+$0x0] =	vst.idx.add.f32.msk $0xffff, v0;
	s1 =	sor.u32 $0x80, s28  }
0x1c9: {  	s2 =	sor.u32 $0x80, s29;
	v6 =	vld [tilespmem:s1+$0x0]  }
0x1ca: {  	v2 =	vld [tilespmem:s2+$0x0]  }
0x1cb: {  	p3 =	sgt.u32 s6, $0x80;
	v7 =	vld.idx.msk [tilespmem:v7+s8+$0x0], $0xffff  }
.Ltmp9:
0x1cc: {  	v0 =	vld.idx.msk [tilespmem:v8+s8+$0x0], $0xffff;
	(pc) =	sbr.rel @!p3 .LBB2_19-.Ltmp9, $4  }
0x1cd: {  	s30 =	sadd.s32 $0x20, s0;
	v4 =	vld.idx.msk [tilespmem:v9+s8+$0x0], $0xffff  }
0x1ce: {  	s1 =	sor.u32 $0x80, s30;
	v8 =	vld.idx.msk [tilespmem:v10+s8+$0x0], $0xffff  }
0x1cf: {  	s31 =	sor.u32 $0x80, s0;
	v9 =	vld [tilespmem:s1+$0x0]  }
0x1d0: {  	p1 =	por $0x1, $0x1;
	s0 =	simm.s32 $0x80;
	v5 =	vld [tilespmem:s31+$0x0];
	s1 =	simm.s32 $0x100  }
.LBB2_20:
0x1d1: {  	s2 =	sand.u32 $0x40, s0;
	s3 =	sand.u32 $0x7FFFFF00, s1;
	s0 =	sadd.s32 $0x40, s0;
	[tilespmem:v6+s7+$0x0] =	vst.idx.add.f32.msk $0xffff, v7  }
0x1d2: {  	s2 =	sor.u32 s2, s3;
	p3 =	slt.u32 s0, s6;
	[tilespmem:v3+s7+$0x0] =	vst.idx.add.f32.msk $0xffff, v1  }
0x1d3: {  	p2 =	por !p2, !p2;
	s3 =	simm.s32 $0x1;
	v7 =	vld [tilespmem:s2+$0x30]  }
0x1d4: {  	s3 =	simm.s32 @!p2 $0x0;
	v1 =	vmov v8;
	v10 =	vld [tilespmem:s2+$0x0];
	v3 =	vmov v9  }
0x1d5: {  	s3 =	sshll.u32 s3, $0x6;
	v8 =	vld [tilespmem:s2+$0x10]  }
0x1d6: {  	s3 =	sadd.s32 s3, s1;
	v9 =	vld [tilespmem:s2+$0x20]  }
0x1d7: {  	s2 =	sadd.s32 $0x10, s3;
	s4 =	sadd.s32 $0x20, s3;
	s5 =	sadd.s32 $0x30, s3;
	[tilespmem:v2+s7+$0x0] =	vst.idx.add.f32.msk $0xffff, v4  }
0x1d8: {  	s2 =	sor.u32 $0x80, s2;
	s4 =	sor.u32 $0x80, s4;
	s5 =	sor.u32 $0x80, s5;
	[tilespmem:v5+s7+$0x0] =	vst.idx.add.f32.msk $0xffff, v0  }
0x1d9: {  	s3 =	sor.u32 $0x80, s3;
	v6 =	vld [tilespmem:s5+$0x0]  }
0x1da: {  	v2 =	vld [tilespmem:s2+$0x0]  }
0x1db: {  	v7 =	vld.idx.msk [tilespmem:v7+s8+$0x0], $0xffff  }
.Ltmp10:
0x1dc: {  	v0 =	vld.idx.msk [tilespmem:v10+s8+$0x0], $0xffff;
	(pc) =	sbr.rel @p3 .LBB2_20-.Ltmp10, $4  }
0x1dd: {  	v4 =	vld.idx.msk [tilespmem:v8+s8+$0x0], $0xffff  }
0x1de: {  	v8 =	vld.idx.msk [tilespmem:v9+s8+$0x0], $0xffff  }
0x1df: {  	v9 =	vld [tilespmem:s4+$0x0]  }
0x1e0: {  	s1 =	sadd.s32 $0x80, s1;
	v5 =	vld [tilespmem:s3+$0x0]  }
0x1e1: {  	_ =	sdelay $0x1  }
0x1e2: {  	s4 =	rddreg [dreg:$0x13]  }
0x1e3: {  	v10 =	vmovc v1;
	v11 =	vmov v3;
	s3 =	rddreg [dreg:$0x14];
	v1 =	vmov v8;
	v3 =	vmov v9  }
.LBB2_22:
0x1e4: {  	_ =	sdelay $0x3  }
0x1e5: {  	[tilespmem:v6+s7+$0x0] =	vst.idx.add.f32.msk $0xffff, v7  }
0x1e6: {  	[tilespmem:v11+s7+$0x0] =	vst.idx.add.f32.msk @p1 $0xffff, v10  }
0x1e7: {  	[tilespmem:v2+s7+$0x0] =	vst.idx.add.f32.msk $0xffff, v4  }
0x1e8: {  	[tilespmem:v5+s7+$0x0] =	vst.idx.add.f32.msk $0xffff, v0;
	s0 =	simm.s32 $0x80  }
0x1e9: {  	[tilespmem:v3+s7+$0x0] =	vst.idx.add.f32.msk $0xffff, v1;
	s1 =	simm.s32 $0x400;
	s2 =	simm.s32 $0xC800;
	s5 =	simm.s32 $0x4  }
0x1ea: {  	[spmem:s3] =	stream.strided.scatter [tilespmem:s2], [sflag:$0x4], $0x2800, s1, s0, $0x38;
	[tilespmem:$0x17280] =	vst v63  }
0x1eb: {  	_ =	swait.ge [sflag:s5], $0x2800  }
0x1ec: {  	[sflag:s5] =	ssyncset.done $0x0  }
0x1ed: {  	s6 =	simm.s32 $0x1400;
	[sflag:s5] =	ssyncadd.s32 $0xFFFFD800  }
0x1ee: {  	s7 =	simm.s32 $0x14000;
	s8 =	simm.s32 $0x11D00;
	[bflag:$0x0] =	sbarrier.arrive $0xFFFF  }
0x1ef: {  	[tilespmem:s8], [sflag:$0x4] =	stream.strided.gather [spmem:s4], $0x2800, s7, s6, $0x38;
	[tilespmem:$0x17280] =	vst v63  }
0x1f0: {  	s9 =	simm.s32 $0x0;
	s2 =	simm.s32 $0x0;
	_ =	swait.ge [sflag:s5], $0x2800  }
0x1f1: {  	s1 =	sand.u32 $0x1C00, s9;
	s0 =	sand.u32 $0x60, s2;
	[sflag:s5] =	ssyncset.done $0x0  }
0x1f2: {  	s10 =	sadd.s32 $0x11D00, s1;
	s7 =	sor.u32 $0x10, s0;
	[sflag:s5] =	ssyncadd.s32 $0xFFFFD800  }
0x1f3: {  	s8 =	sor.u32 s7, s10;
	v0 =	vld [tilespmem:$0x14780]  }
0x1f4: {  	v1 =	vld [tilespmem:s8+$0x0]  }
0x1f5: {  	s3 =	sor.u32 s0, s10;
	v2 =	vld [tilespmem:s8+$0x80]  }
0x1f6: {  	v3 =	vld [tilespmem:s3+$0x0]  }
0x1f7: {  	v4 =	vld [tilespmem:s8+$0x100]  }
0x1f8: {  	v5 =	vld [tilespmem:s3+$0x80]  }
0x1f9: {  	v6 =	vld [tilespmem:s8+$0x180]  }
0x1fa: {  	v7 =	vld [tilespmem:s3+$0x100]  }
0x1fb: {  	v8 =	vld [tilespmem:s8+$0x200]  }
0x1fc: {  	v9 =	vld [tilespmem:s3+$0x180]  }
0x1fd: {  	v36 =	vld [tilespmem:s8+$0x280]  }
0x1fe: {  	v37 =	vld [tilespmem:s3+$0x200]  }
0x1ff: {  	v12 =	vld [tilespmem:s8+$0x300]  }
0x200: {  	v13 =	vld [tilespmem:s3+$0x280]  }
0x201: {  	s9 =	sadd.s32 $0x13100, s1;
	v14 =	vld [tilespmem:s8+$0x380]  }
0x202: {  	s11 =	sor.u32 s7, s9;
	v15 =	vld [tilespmem:s3+$0x300]  }
0x203: {  	s10 =	sadd.s32 $0x13180, s1;
	v16 =	vld [tilespmem:s11+$0x0]  }
0x204: {  	s12 =	sor.u32 s7, s10;
	v17 =	vld [tilespmem:s3+$0x380]  }
0x205: {  	s14 =	sadd.s32 $0x13200, s1;
	s13 =	sor.u32 s0, s9;
	v18 =	vld [tilespmem:s12+$0x0]  }
0x206: {  	s15 =	sor.u32 s7, s14;
	v19 =	vld [tilespmem:s13+$0x0]  }
0x207: {  	s17 =	sadd.s32 $0x13280, s1;
	s16 =	sor.u32 s0, s10;
	v20 =	vld [tilespmem:s15+$0x0]  }
0x208: {  	s18 =	sor.u32 s7, s17;
	v21 =	vld [tilespmem:s16+$0x0]  }
0x209: {  	s20 =	sadd.s32 $0x13300, s1;
	s19 =	sor.u32 s0, s14;
	v22 =	vld [tilespmem:s18+$0x0]  }
0x20a: {  	s21 =	sor.u32 s7, s20;
	v23 =	vld [tilespmem:s19+$0x0]  }
0x20b: {  	s23 =	sadd.s32 $0x13380, s1;
	s22 =	sor.u32 s0, s17;
	v24 =	vld [tilespmem:s21+$0x0]  }
0x20c: {  	s26 =	sadd.s32 $0x13400, s1;
	s2 =	sand.u32 $0x380, s2;
	s24 =	sor.u32 s7, s23;
	v25 =	vld [tilespmem:s22+$0x0]  }
0x20d: {  	s25 =	sor.u32 s0, s20;
	s29 =	sor.u32 s0, s23;
	s31 =	sor.u32 s0, s26;
	v26 =	vld [tilespmem:s24+$0x0]  }
0x20e: {  	s28 =	sor.u32 s7, s26;
	s1 =	sadd.s32 $0x13480, s1;
	s9 =	sor.u32 s2, s7;
	v27 =	vld [tilespmem:s25+$0x0]  }
0x20f: {  	s30 =	sor.u32 s7, s1;
	s7 =	simm.s32 $0x20;
	v28 =	vld [tilespmem:s28+$0x0];
	s8 =	simm.s32 $0x100  }
0x210: {  	s0 =	sor.u32 s0, s1;
	s10 =	sand.u32 $0x60, s7;
	v29 =	vld [tilespmem:s29+$0x0];
	s1 =	sand.u32 $0x1C00, s8  }
0x211: {  	s5 =	simm.s32 $0x11800;
	v30 =	vld [tilespmem:s30+$0x0];
	s13 =	sor.u32 $0x10, s10;
	s12 =	sadd.s32 $0x11D00, s1;
	v1 =	vadd.f32 v2, v1  }
0x212: {  	v38 =	vld [tilespmem:s5+$0x0];
	s14 =	sor.u32 s13, s12;
	v3 =	vadd.f32 v5, v3  }
0x213: {  	v39 =	vld [tilespmem:s14+$0x80];
	v1 =	vadd.f32 v4, v1  }
0x214: {  	v41 =	vld [tilespmem:s14+$0x100];
	v3 =	vadd.f32 v7, v3  }
0x215: {  	v43 =	vld [tilespmem:s14+$0x180];
	v1 =	vadd.f32 v6, v1  }
0x216: {  	v45 =	vld [tilespmem:s14+$0x200];
	v3 =	vadd.f32 v9, v3  }
0x217: {  	v47 =	vld [tilespmem:s14+$0x280];
	v1 =	vadd.f32 v8, v1  }
0x218: {  	v49 =	vld [tilespmem:s14+$0x300];
	v3 =	vadd.f32 v37, v3  }
0x219: {  	v8 =	vld [tilespmem:s14+$0x0];
	v1 =	vadd.f32 v36, v1  }
0x21a: {  	v4 =	vld [tilespmem:s0+$0x0];
	s0 =	sor.u32 s10, s12;
	v3 =	vadd.f32 v13, v3  }
0x21b: {  	v40 =	vld [tilespmem:s0+$0x0];
	v1 =	vadd.f32 v12, v1  }
0x21c: {  	v42 =	vld [tilespmem:s0+$0x80];
	v3 =	vadd.f32 v15, v3  }
0x21d: {  	s11 =	sadd.s32 $0x13100, s1;
	v51 =	vld [tilespmem:s14+$0x380];
	v1 =	vadd.f32 v14, v1  }
0x21e: {  	s15 =	sor.u32 s13, s11;
	v44 =	vld [tilespmem:s0+$0x100];
	v8 =	vadd.f32 v39, v8;
	v3 =	vadd.f32 v17, v3  }
0x21f: {  	s16 =	sadd.s32 $0x13180, s1;
	v53 =	vld [tilespmem:s15+$0x0];
	v1 =	vadd.f32 v16, v1  }
0x220: {  	s17 =	sor.u32 s13, s16;
	v46 =	vld [tilespmem:s0+$0x180];
	v8 =	vadd.f32 v41, v8;
	v3 =	vadd.f32 v19, v3  }
0x221: {  	v55 =	vld [tilespmem:s17+$0x0];
	v10 =	vadd.f32 v42, v40;
	v1 =	vadd.f32 v18, v1  }
0x222: {  	s11 =	sor.u32 s10, s11;
	v48 =	vld [tilespmem:s0+$0x200];
	v8 =	vadd.f32 v43, v8;
	v3 =	vadd.f32 v21, v3  }
0x223: {  	s18 =	sadd.s32 $0x13200, s1;
	v56 =	vld [tilespmem:s11+$0x0];
	v10 =	vadd.f32 v44, v10;
	v1 =	vadd.f32 v20, v1  }
0x224: {  	s19 =	sor.u32 s13, s18;
	v50 =	vld [tilespmem:s0+$0x280];
	v8 =	vadd.f32 v45, v8;
	v3 =	vadd.f32 v23, v3  }
0x225: {  	v57 =	vld [tilespmem:s19+$0x0];
	v10 =	vadd.f32 v46, v10;
	v1 =	vadd.f32 v22, v1  }
0x226: {  	v52 =	vld [tilespmem:s0+$0x300];
	v8 =	vadd.f32 v47, v8;
	v3 =	vadd.f32 v25, v3  }
0x227: {  	v2 =	vld [tilespmem:s31+$0x0];
	v10 =	vadd.f32 v48, v10;
	v1 =	vadd.f32 v24, v1  }
0x228: {  	s3 =	sor.u32 s10, s16;
	v54 =	vld [tilespmem:s0+$0x380];
	v8 =	vadd.f32 v49, v8;
	v3 =	vadd.f32 v27, v3  }
0x229: {  	v58 =	vld [tilespmem:s3+$0x0];
	v10 =	vadd.f32 v50, v10;
	v1 =	vadd.f32 v26, v1  }
0x22a: {  	s6 =	simm.s32 $0x11A80;
	s20 =	sadd.s32 $0x13280, s1;
	v5 =	vld [tilespmem:s9+$0x11A80];
	v8 =	vadd.f32 v51, v8;
	v3 =	vadd.f32 v29, v3  }
0x22b: {  	s21 =	sor.u32 s13, s20;
	v6 =	vld [tilespmem:s6+$0x0];
	v10 =	vadd.f32 v52, v10;
	v1 =	vadd.f32 v28, v1  }
0x22c: {  	v59 =	vld [tilespmem:s21+$0x0];
	v8 =	vadd.f32 v53, v8;
	v2 =	vadd.f32 v2, v3  }
0x22d: {  	s22 =	sadd.s32 $0x13300, s1;
	v7 =	vld [tilespmem:s9+$0x11800];
	s0 =	sor.u32 s10, s18;
	v3 =	vadd.f32 v54, v10;
	v1 =	vadd.f32 v30, v1  }
0x22e: {  	s23 =	sor.u32 s13, s22;
	v60 =	vld [tilespmem:s0+$0x0];
	v8 =	vadd.f32 v55, v8;
	v2 =	vadd.f32 v4, v2  }
0x22f: {  	s24 =	sadd.s32 $0x13380, s1;
	s11 =	sor.u32 s10, s20;
	v3 =	vadd.f32 v56, v3;
	v4 =	vld [tilespmem:s23+$0x0];
	v1 =	vadd.f32 v5, v1  }
0x230: {  	s25 =	sor.u32 s13, s24;
	v5 =	vadd.f32 v57, v8;
	v8 =	vld [tilespmem:s11+$0x0];
	v2 =	vadd.f32 v6, v2  }
0x231: {  	s26 =	sadd.s32 $0x13400, s1;
	s3 =	sor.u32 s10, s22;
	v3 =	vadd.f32 v58, v3;
	v6 =	vld [tilespmem:s25+$0x0]  }
0x232: {  	s28 =	sor.u32 s13, s26;
	v61 =	vld [tilespmem:s3+$0x0];
	v1 =	vmul.f32 v1, v7;
	v5 =	vadd.f32 v59, v5;
	v7 =	vmul.f32 v2, v38  }
0x233: {  	s2 =	sadd.s32 $0x13480, s1;
	s0 =	sor.u32 s10, s24;
	v62 =	vadd.f32 v60, v3;
	v3 =	vld [tilespmem:s28+$0x0]  }
0x234: {  	s29 =	sor.u32 s13, s2;
	v2 =	vld [tilespmem:s0+$0x0];
	v5 =	vadd.f32 v4, v5;
	v7 =	vadd.f32 v7, v0  }
0x235: {  	s4 =	simm.s32 $0x14500;
	s30 =	sor.u32 s10, s26;
	s31 =	sand.u32 $0x380, s7;
	v63 =	vadd.f32 v1, v0;
	v1 =	vld [tilespmem:s29+$0x0];
	v8 =	vadd.f32 v8, v62  }
0x236: {  	s0 =	sor.u32 s31, s13;
	v4 =	vld [tilespmem:s30+$0x0];
	[tilespmem:s4+$0x0] =	vst v7;
	v7 =	vadd.f32 v6, v5  }
0x237: {  	s1 =	sor.u32 s10, s2;
	[tilespmem:s9+$0x14500] =	vst v63;
	v5 =	vld [tilespmem:s0+$0x11A80];
	v6 =	vadd.f32 v61, v8  }
.LBB2_23:
0x238: {  	s7 =	sadd.s32 $0x20, s7;
	v8 =	vld [tilespmem:s1+$0x0];
	v3 =	vadd.f32 v3, v7;
	s8 =	sadd.s32 $0x100, s8;
	s6 =	sadd.s32 $0x20, s6  }
0x239: {  	s10 =	sand.u32 $0x60, s7;
	s11 =	sand.u32 $0x1C00, s8;
	p1 =	slt.u32 s7, $0x260;
	v2 =	vadd.f32 v2, v6;
	v6 =	vld [tilespmem:s0+$0x11800]  }
0x23a: {  	s5 =	sadd.s32 $0x20, s5;
	s1 =	sadd.s32 $0x11D00, s11;
	s9 =	sor.u32 $0x10, s10;
	v7 =	vld [tilespmem:s6+$0x0];
	v1 =	vadd.f32 v1, v3  }
0x23b: {  	s2 =	sor.u32 s10, s1;
	s1 =	sor.u32 s9, s1;
	v2 =	vadd.f32 v4, v2;
	v3 =	vld [tilespmem:s5+$0x0]  }
0x23c: {  	v4 =	vld [tilespmem:s1+$0x0];
	v1 =	vadd.f32 v5, v1  }
0x23d: {  	v5 =	vld [tilespmem:s1+$0x80];
	v2 =	vadd.f32 v8, v2  }
0x23e: {  	v8 =	vld [tilespmem:s2+$0x0];
	v1 =	vmul.f32 v1, v6  }
0x23f: {  	v6 =	vld [tilespmem:s1+$0x100];
	v2 =	vadd.f32 v7, v2  }
0x240: {  	v7 =	vld [tilespmem:s2+$0x80];
	v1 =	vadd.f32 v1, v0  }
0x241: {  	v9 =	vld [tilespmem:s1+$0x180];
	v2 =	vmul.f32 v2, v3  }
0x242: {  	v3 =	vld [tilespmem:s2+$0x100];
	v4 =	vadd.f32 v5, v4;
	[tilespmem:s0+$0x14500] =	vst v1  }
0x243: {  	v1 =	vld [tilespmem:s1+$0x200];
	v2 =	vadd.f32 v2, v0  }
0x244: {  	s4 =	sadd.s32 $0x20, s4;
	v5 =	vld [tilespmem:s2+$0x180];
	v4 =	vadd.f32 v6, v4  }
0x245: {  	v6 =	vadd.f32 v7, v8;
	v7 =	vld [tilespmem:s1+$0x280];
	[tilespmem:s4+$0x0] =	vst v2  }
0x246: {  	v2 =	vld [tilespmem:s2+$0x200];
	v4 =	vadd.f32 v9, v4  }
0x247: {  	v3 =	vadd.f32 v3, v6;
	v6 =	vld [tilespmem:s1+$0x300]  }
0x248: {  	v8 =	vld [tilespmem:s2+$0x280];
	v1 =	vadd.f32 v1, v4  }
0x249: {  	s0 =	sadd.s32 $0x13100, s11;
	v3 =	vadd.f32 v5, v3;
	v4 =	vld [tilespmem:s1+$0x380]  }
0x24a: {  	s1 =	sor.u32 s10, s0;
	s0 =	sor.u32 s9, s0;
	v5 =	vld [tilespmem:s2+$0x300];
	v1 =	vadd.f32 v7, v1  }
0x24b: {  	s3 =	sadd.s32 $0x13180, s11;
	v2 =	vadd.f32 v2, v3;
	v3 =	vld [tilespmem:s0+$0x0]  }
0x24c: {  	s0 =	sor.u32 s10, s3;
	v7 =	vld [tilespmem:s2+$0x380];
	v1 =	vadd.f32 v6, v1;
	s2 =	sor.u32 s9, s3  }
0x24d: {  	s3 =	sadd.s32 $0x13200, s11;
	v2 =	vadd.f32 v8, v2;
	v6 =	vld [tilespmem:s2+$0x0]  }
0x24e: {  	s2 =	sor.u32 s9, s3;
	v8 =	vld [tilespmem:s1+$0x0];
	s1 =	sor.u32 s10, s3;
	v1 =	vadd.f32 v4, v1  }
0x24f: {  	s3 =	sadd.s32 $0x13280, s11;
	v2 =	vadd.f32 v5, v2;
	v4 =	vld [tilespmem:s2+$0x0]  }
0x250: {  	s2 =	sor.u32 s9, s3;
	v5 =	vld [tilespmem:s0+$0x0];
	s0 =	sor.u32 s10, s3;
	v1 =	vadd.f32 v3, v1  }
0x251: {  	s3 =	sadd.s32 $0x13300, s11;
	v2 =	vadd.f32 v7, v2;
	v3 =	vld [tilespmem:s2+$0x0]  }
0x252: {  	s2 =	sor.u32 s9, s3;
	v7 =	vld [tilespmem:s1+$0x0];
	s1 =	sor.u32 s10, s3;
	v1 =	vadd.f32 v6, v1  }
0x253: {  	s3 =	sadd.s32 $0x13380, s11;
	v2 =	vadd.f32 v8, v2;
	v6 =	vld [tilespmem:s2+$0x0]  }
0x254: {  	s2 =	sor.u32 s9, s3;
	v8 =	vld [tilespmem:s0+$0x0];
	s0 =	sor.u32 s10, s3;
	v1 =	vadd.f32 v4, v1  }
0x255: {  	s3 =	sadd.s32 $0x13400, s11;
	v2 =	vadd.f32 v5, v2;
	v5 =	vld [tilespmem:s2+$0x0]  }
0x256: {  	s2 =	sor.u32 s10, s3;
	v9 =	vld [tilespmem:s1+$0x0];
	v1 =	vadd.f32 v3, v1;
	s1 =	sor.u32 s9, s3  }
.Ltmp11:
0x257: {  	s3 =	sadd.s32 $0x13480, s11;
	v4 =	vadd.f32 v7, v2;
	v3 =	vld [tilespmem:s1+$0x0];
	(pc) =	sbr.rel @p1 .LBB2_23-.Ltmp11, $4  }
0x258: {  	s1 =	sor.u32 s10, s3;
	v2 =	vld [tilespmem:s0+$0x0];
	v6 =	vadd.f32 v6, v1;
	s0 =	sor.u32 s9, s3  }
0x259: {  	v8 =	vadd.f32 v8, v4;
	v1 =	vld [tilespmem:s0+$0x0];
	s0 =	sand.u32 $0x380, s7  }
0x25a: {  	v4 =	vld [tilespmem:s2+$0x0];
	v7 =	vadd.f32 v5, v6;
	s0 =	sor.u32 s0, s9  }
0x25b: {  	v6 =	vadd.f32 v9, v8;
	v5 =	vld [tilespmem:s0+$0x11A80]  }
0x25c: {  	v8 =	vld [tilespmem:s1+$0x0]  }
0x25d: {  	s28 =	sadd.s32 $0x20, s6;
	v2 =	vadd.f32 v2, v6  }
0x25e: {  	v3 =	vadd.f32 v3, v7;
	v60 =	vld [tilespmem:s28+$0x0]  }
0x25f: {  	v61 =	vld [tilespmem:s0+$0x11800];
	s29 =	sadd.s32 $0x20, s5;
	v2 =	vadd.f32 v4, v2  }
0x260: {  	v62 =	vld [tilespmem:s29+$0x0];
	v1 =	vadd.f32 v1, v3  }
0x261: {  	v2 =	vadd.f32 v8, v2  }
0x262: {  	v1 =	vadd.f32 v5, v1  }
0x263: {  	v2 =	vadd.f32 v60, v2  }
0x264: {  	v1 =	vmul.f32 v1, v61  }
0x265: {  	v2 =	vmul.f32 v2, v62  }
0x266: {  	v1 =	vadd.f32 v1, v0  }
0x267: {  	v63 =	vadd.f32 v2, v0  }
0x268: {  	s30 =	sadd.s32 $0x20, s4;
	[tilespmem:s0+$0x14500] =	vst v1  }
0x269: {  	[tilespmem:s30+$0x0] =	vst v63  }
0x26a: {  	s1 =	simm.s32 @p0 $0x14500;
	s0 =	simm.s32 @p0 $0x0;
	s2 =	rddreg [dreg:$0x12]  }
0x26b: {  	[hbm4b:s2+s0] =	stream.linear.scatter @p0 [tilespmem:s1], [sflag:$0x4], $0x190, $0x38;
	[tilespmem:$0x17280] =	vst v63  }
0x26c: {  	s0 =	simm.s32 @p0 $0x4  }
0x26d: {  	_ =	swait.ge @p0 [sflag:s0], $0x190  }
0x26e: {  	s1 =	simm.s32 @!p0 $0x14500;
	[sflag:s0] =	ssyncset.done @p0 $0x0  }
0x26f: {  	s2 =	rddreg [dreg:$0x11];
	[sflag:s0] =	ssyncadd.s32 @p0 $0xFFFFFE70;
	s0 =	simm.s32 @!p0 $0x0  }
0x270: {  	[hbm4b:s2+s0] =	stream.linear.scatter @!p0 [tilespmem:s1], [sflag:$0x4], $0x280, $0x38;
	[tilespmem:$0x17280] =	vst v63  }
0x271: {  	s0 =	simm.s32 @!p0 $0x4  }
0x272: {  	_ =	swait.ge @!p0 [sflag:s0], $0x280  }
0x273: {  	[sflag:s0] =	ssyncset.done @!p0 $0x0  }
0x274: {  	[sflag:s0] =	ssyncadd.s32 @!p0 $0xFFFFFD80  }
0x275: {  	_ =	sfence.sel $0x180000  }
0x276: {  	[bflag:$0x0] =	sbarrier.arrive $0xFFFF  }
0x277: {  	_ =	strace $0x90000047  }
0x278: {  	s31 =	stileid.u32;
	[bflag:$0x2] =	sbarrier.arrive $0xFFFF  }
0x279: {  	p0 =	sne.s32 s31, $0x0;
	s0 =	rddreg [dreg:$0x5]  }
0x27a: {  	s0 =	sadd.s32 @!p0 $0x100000, s0  }
0x27b: {  	[sflag:s0] =	ssyncadd.tile.s32 @!p0 $0x1;
	_ =	shalt  }
.LBB2_17:
.Ltmp12:
0x27c: {  	(pc) =	sbr.rel .LBB2_22-.Ltmp12, $3  }
0x27d: {  	_ =	sdelay $0x1  }
0x27e: {  	s4 =	rddreg [dreg:$0x13]  }
0x27f: {  	s3 =	rddreg [dreg:$0x14]  }
.LBB2_19:
.Ltmp13:
0x280: {  	(pc) =	sbr.rel .LBB2_22-.Ltmp13, $3  }
0x281: {  	_ =	sdelay $0x1  }
0x282: {  	s4 =	rddreg [dreg:$0x13]  }
0x283: {  	v10 =	vmovc v1;
	v11 =	vmov v3;
	s3 =	rddreg [dreg:$0x14];
	v1 =	vmov v8;
	v3 =	vmov v9  }
.Lfunc_end2:
_tile_overlayer_lowered:
.L_overlay_start_2:
0x284: {  	(tag) =	ssettag $0x2  }
0x285: {  	s0 =	rddreg [dreg:$0x0];
	s2 =	stileid.u32  }
0x286: {  	s1 =	rddreg [dreg:$0x1];
	p0 =	sne.s32 s2, $0x0  }
0x287: {  	s3 =	rddreg [dreg:$0x2];
	[bflag:$0x3] =	sbarrier.arrive $0xFFFF;
	s2 =	simm.s32 @!p0 $0x1C04  }
0x288: {  	[timem:s3], [sflag:s2] =	dma.local @!p0 [hbm:s0], s1  }
0x289: {  	s0 =	simm.s32 @!p0 $0x4  }
0x28a: {  	_ =	swait.ge @!p0 [sflag:s0], s1  }
0x28b: {  	s1 =	ssub.s32 @!p0 $0x0, s1;
	[sflag:s0] =	ssyncset.done @!p0 $0x0  }
0x28c: {  	[sflag:s0] =	ssyncadd.s32 @!p0 s1  }
0x28d: {  	[bflag:$0x3] =	sbarrier.arrive $0xFFFF  }
0x28e: {  	_ =	shalt  }

</sc_bundles>
